<compile_context>
chip_gen: v7x
topology: tpu7x:2x2x1
jax: 0.10.2.dev20260603
libtpu: 0.0.44.dev20260713+nightly
codegen_flags: <defaults>
</compile_context>

<pallas_src>
import functools

import jax
import jax.numpy as jnp
from jax import lax
from jax.experimental import pallas as pl
from jax.experimental.pallas import tpu as pltpu
from jax.experimental.pallas import tpu_sc as plsc

N_Q = 1024
N_T = 100000
D_F = 32
BK = 4096
NB = (N_T + BK - 1) // BK
BIG = float("inf")
IBIG = 2**31 - 1


def _insert(v0, i0, v1, i1, v2, i2, m, j):
    lt0 = m < v0
    lt1 = m < v1
    lt2 = m < v2
    nv0 = jnp.where(lt0, m, v0)
    ni0 = jnp.where(lt0, j, i0)
    nv1 = jnp.where(lt0, v0, jnp.where(lt1, m, v1))
    ni1 = jnp.where(lt0, i0, jnp.where(lt1, j, i1))
    nv2 = jnp.where(lt1, v1, jnp.where(lt2, m, v2))
    ni2 = jnp.where(lt1, i1, jnp.where(lt2, j, i2))
    return nv0, ni0, nv1, ni1, nv2, ni2


def _topk_body(sf_ref, tf_ref, w_out, idx_out,
               v0, i0, v1, i1, v2, i2):
    i = pl.program_id(0)

    @pl.when(i == 0)
    def _init():
        for r in (v0, v1, v2):
            r[...] = jnp.full((N_Q, 1), BIG, jnp.float32)
        for r in (i0, i1, i2):
            r[...] = jnp.full((N_Q, 1), IBIG, jnp.int32)

    sf = sf_ref[...]
    tf = tf_ref[...]
    dp2 = jax.lax.dot_general(
        -2.0 * sf, tf, (((1,), (1,)), ((), ())),
        preferred_element_type=jnp.float32)
    ss = jnp.sum(sf * sf, axis=1, keepdims=True)
    lane_row = lax.broadcasted_iota(jnp.int32, (1, BK), 1)
    tsq = jnp.sum(tf * tf, axis=1)[None, :]
    tsq = jnp.where(i * BK + lane_row < N_T, tsq, BIG)
    d = (ss + dp2) + tsq

    lane_f = lax.broadcasted_iota(jnp.int32, (N_Q, BK), 1).astype(jnp.float32)

    a0, b0, a1, b1, a2, b2 = (v0[...], i0[...], v1[...], i1[...],
                              v2[...], i2[...])
    for r in range(3):
        m = jnp.min(d, axis=1, keepdims=True)
        jl = jnp.min(jnp.where(d == m, lane_f, BIG), axis=1,
                     keepdims=True)
        if r < 2:
            d = jnp.where(lane_f == jl, BIG, d)
        j = i * BK + jl.astype(jnp.int32)
        a0, b0, a1, b1, a2, b2 = _insert(a0, b0, a1, b1, a2, b2, m, j)
    v0[...], i0[...], v1[...], i1[...], v2[...], i2[...] = (
        a0, b0, a1, b1, a2, b2)

    @pl.when(i == NB - 1)
    def _finalize():
        e0 = jnp.ones_like(a0)
        e1 = jnp.exp(a0 - a1)
        e2 = jnp.exp(a0 - a2)
        tot = e0 + e1 + e2
        zf = jnp.zeros((N_Q, 5), jnp.float32)
        w_out[...] = jnp.concatenate(
            [e0 / tot, e1 / tot, e2 / tot, zf], axis=1)
        zi = jnp.zeros((N_Q, 5), jnp.int32)
        idx_out[...] = jnp.concatenate([b0, b1, b2, zi], axis=1)


def _topk(source_feats, target_feats):
    w, idx = pl.pallas_call(
        _topk_body,
        grid=(NB,),
        in_specs=[
            pl.BlockSpec((N_Q, D_F), lambda i: (0, 0)),
            pl.BlockSpec((BK, D_F), lambda i: (i, 0)),
        ],
        out_specs=[
            pl.BlockSpec((N_Q, 8), lambda i: (0, 0)),
            pl.BlockSpec((N_Q, 8), lambda i: (0, 0)),
        ],
        out_shape=[
            jax.ShapeDtypeStruct((N_Q, 8), jnp.float32),
            jax.ShapeDtypeStruct((N_Q, 8), jnp.int32),
        ],
        scratch_shapes=[pltpu.VMEM((N_Q, 1), jnp.float32),
                        pltpu.VMEM((N_Q, 1), jnp.int32)] * 3,
        compiler_params=pltpu.CompilerParams(
            dimension_semantics=("arbitrary",)),
    )(source_feats, target_feats)
    return w[:, :3], idx[:, :3]


_NW = 32
_QW = N_Q // _NW
_CW = 3 * _QW
_PD = 16


def _sc_body(idx_hbm, w_hbm, table_hbm, out_hbm, idx_v, w_v, rows_v,
             out_v, sem):
    wid = lax.axis_index("s") * 2 + lax.axis_index("c")
    base = wid * _CW
    pltpu.sync_copy(idx_hbm.at[pl.ds(base, _CW)], idx_v)
    pltpu.sync_copy(w_hbm.at[pl.ds(base, _CW), :], w_v)
    pltpu.async_copy(table_hbm.at[idx_v], rows_v, sem).wait()
    for q in range(_QW):
        acc = (w_v[3 * q, :] * rows_v[3 * q, :]
               + w_v[3 * q + 1, :] * rows_v[3 * q + 1, :]
               + w_v[3 * q + 2, :] * rows_v[3 * q + 2, :])
        out_v[q, :] = acc
    pltpu.sync_copy(out_v, out_hbm.at[pl.ds(wid * _QW, _QW), :])


def _sc_combine(idx_flat, w_rows, table_pad):
    mesh = plsc.VectorSubcoreMesh(core_axis_name="c", subcore_axis_name="s")
    run = functools.partial(
        pl.kernel,
        mesh=mesh,
        compiler_params=pltpu.CompilerParams(use_tc_tiling_on_sc=False),
        out_type=jax.ShapeDtypeStruct((N_Q, _PD), jnp.float32),
        scratch_types=[
            pltpu.VMEM((_CW,), jnp.int32),
            pltpu.VMEM((_CW, _PD), jnp.float32),
            pltpu.VMEM((_CW, _PD), jnp.float32),
            pltpu.VMEM((_QW, _PD), jnp.float32),
            pltpu.SemaphoreType.DMA,
        ],
    )(_sc_body)
    return run(idx_flat, w_rows, table_pad)


@jax.jit
def kernel(source_feats, target_feats, target_points):
    w, idx = _topk(source_feats, target_feats)
    table_pad = jnp.pad(target_points, ((0, 0), (0, _PD - 3)))
    w_rows = jnp.broadcast_to(w.reshape(-1)[:, None], (3 * N_Q, _PD))
    out = _sc_combine(idx.reshape(-1), w_rows, table_pad)
    return out[:, :3]

# --- scband reference (transcript-rebuilt; emitter-appended) ---
"""Pipeline reference for scband-hybrid-model-33397665694047 (READ-ONLY COPY).

The authoritative reference and input builder live on the scoring server;
editing this copy changes nothing except your own understanding.
"""

import jax, jax.numpy as jnp
import numpy as np


def setup_inputs(seed: int = 0) -> dict:
    key = jax.random.key(seed)
    k1, k2, k3 = jax.random.split(key, 3)
    source_feats = jax.random.normal(k1, (1024, 32), dtype=jnp.float32)
    target_feats = jax.random.normal(k2, (100000, 32), dtype=jnp.float32)
    target_points = jax.random.normal(k3, (100000, 3), dtype=jnp.float32)
    return {"source_feats": source_feats, "target_feats": target_feats, "target_points": target_points}


def reference(source_feats, target_feats, target_points):
    # Faithful translation of HybridModel.predict (the retrieval/kNN core):
    # pairwise squared L2 distances via expansion, top-3 nearest neighbors,
    # softmax over (negated) distances, weighted blend of neighbor points.
    N = source_feats.shape[0]
    dp = jnp.matmul(source_feats, target_feats.T)  # [N, K]
    source_squares = jnp.sum(source_feats * source_feats, axis=-1, keepdims=True)  # [N, 1]
    target_squares = jnp.sum(target_feats * target_feats, axis=-1, keepdims=True)  # [K, 1]
    dists = source_squares - 2.0 * dp + target_squares.reshape(1, -1)  # [N, K]
    scores, indices = jax.lax.top_k(-dists, 3)  # [N, 3] each
    scores = jax.nn.softmax(scores, axis=-1)
    selected_points = jnp.take(target_points, indices.reshape(-1), axis=0).reshape(-1, 3, 3)
    predicted_points = jnp.sum(selected_points * scores[..., None], axis=-2)  # [N, 3]
    return predicted_points

if __name__ == "__main__":
    import jax
    _d = setup_inputs()
    print(jax.jit(kernel)(*tuple(_d.values())))

</pallas_src>

<mosaic_0001>
#map = affine_map<(d0, d1) -> (0)>
#map1 = affine_map<(d0, d1) -> (0, 0)>
module attributes {stable_mosaic.version = 14 : i64} {
  func.func @_sc_body(%arg0: i32, %arg1: i32, %arg2: memref<3072xi32, #tpu.memory_space<hbm>>, %arg3: memref<3072x16xf32, #tpu.memory_space<hbm>>, %arg4: memref<100000x16xf32, #tpu.memory_space<hbm>>, %arg5: memref<1024x16xf32, #tpu.memory_space<hbm>>, %arg6: memref<96xi32, #tpu.memory_space<vmem>>, %arg7: memref<96x16xf32, #tpu.memory_space<vmem>>, %arg8: memref<96x16xf32, #tpu.memory_space<vmem>>, %arg9: memref<32x16xf32, #tpu.memory_space<vmem>>, %arg10: memref<!tpu.dma_semaphore, #tpu.memory_space<semaphore_mem>>) attributes {dimension_semantics = [#tpu.dimension_semantics<core_parallel>, #tpu.dimension_semantics<subcore_parallel>], iteration_bounds = array<i64: 2, 16>, scalar_prefetch = 0 : i64, scratch_operands = 5 : i64, tpu.core_type = #tpu.core_type<sc_vector_subcore>, window_params = [{transform_indices = #map}, {transform_indices = #map1}, {transform_indices = #map1}, {transform_indices = #map1}]} {
    %mul3A = arith.constant 2 : i32
    %mul3A_0 = arith.muli %arg1, %mul3A : i32
    %add3A = arith.addi %mul3A_0, %arg0 : i32
    %mul3A_1 = arith.constant 96 : i32
    %mul3A_2 = arith.muli %add3A, %mul3A_1 : i32
    "tpu.region"() ({
      %run_scoped3A = tpu.sem_alloc : memref<!tpu.dma_semaphore, #tpu.memory_space<semaphore_mem>>
      %dma_start3A_1319 = tpu.memref_slice %arg2[%mul3A_2] : memref<3072xi32, #tpu.memory_space<hbm>> -> memref<96xi32, #tpu.memory_space<hbm>>
      %dma_start3A_1320 = tpu.memref_slice %arg2[%mul3A_2] : memref<3072xi32, #tpu.memory_space<hbm>> -> memref<96xi32, #tpu.memory_space<hbm>>
      tpu.enqueue_dma source(%dma_start3A_1320 : memref<96xi32, #tpu.memory_space<hbm>>) target(%arg6 : memref<96xi32, #tpu.memory_space<vmem>>) target_semaphore(%run_scoped3A : memref<!tpu.dma_semaphore, #tpu.memory_space<semaphore_mem>>)
      %dma_wait3A_1321 = tpu.memref_slice %arg2[%mul3A_2] : memref<3072xi32, #tpu.memory_space<hbm>> -> memref<96xi32, #tpu.memory_space<hbm>>
      %dma_wait3A_1322 = tpu.memref_slice %arg2[%mul3A_2] : memref<3072xi32, #tpu.memory_space<hbm>> -> memref<96xi32, #tpu.memory_space<hbm>>
      tpu.wait_dma2 semaphore(%run_scoped3A : memref<!tpu.dma_semaphore, #tpu.memory_space<semaphore_mem>>) src(%dma_wait3A_1322 : memref<96xi32, #tpu.memory_space<hbm>>) dst(%arg6 : memref<96xi32, #tpu.memory_space<vmem>>)
      tpu.yield
    }) : () -> ()
    "tpu.region"() ({
      %run_scoped3A = tpu.sem_alloc : memref<!tpu.dma_semaphore, #tpu.memory_space<semaphore_mem>>
      %dma_start3A_1319 = arith.constant 0 : i32
      %dma_start3A_1320 = tpu.memref_slice %arg3[%mul3A_2, %dma_start3A_1319] : memref<3072x16xf32, #tpu.memory_space<hbm>> -> memref<96x16xf32, #tpu.memory_space<hbm>>
      %dma_start3A_1321 = arith.constant 0 : i32
      %dma_start3A_1322 = tpu.memref_slice %arg3[%mul3A_2, %dma_start3A_1321] : memref<3072x16xf32, #tpu.memory_space<hbm>> -> memref<96x16xf32, #tpu.memory_space<hbm>>
      tpu.enqueue_dma source(%dma_start3A_1322 : memref<96x16xf32, #tpu.memory_space<hbm>>) target(%arg7 : memref<96x16xf32, #tpu.memory_space<vmem>>) target_semaphore(%run_scoped3A : memref<!tpu.dma_semaphore, #tpu.memory_space<semaphore_mem>>)
      %dma_wait3A_1323 = arith.constant 0 : i32
      %dma_wait3A_1324 = tpu.memref_slice %arg3[%mul3A_2, %dma_wait3A_1323] : memref<3072x16xf32, #tpu.memory_space<hbm>> -> memref<96x16xf32, #tpu.memory_space<hbm>>
      %dma_wait3A_1325 = arith.constant 0 : i32
      %dma_wait3A_1326 = tpu.memref_slice %arg3[%mul3A_2, %dma_wait3A_1325] : memref<3072x16xf32, #tpu.memory_space<hbm>> -> memref<96x16xf32, #tpu.memory_space<hbm>>
      tpu.wait_dma2 semaphore(%run_scoped3A : memref<!tpu.dma_semaphore, #tpu.memory_space<semaphore_mem>>) src(%dma_wait3A_1326 : memref<96x16xf32, #tpu.memory_space<hbm>>) dst(%arg7 : memref<96x16xf32, #tpu.memory_space<vmem>>)
      tpu.yield
    }) : () -> ()
    %dma_start3A = arith.constant 0 : i32
    %dma_start3A_3 = arith.constant 0 : i32
    %dma_start3A_4 = tpu.memref_slice %arg4[%dma_start3A, %dma_start3A_3] : memref<100000x16xf32, #tpu.memory_space<hbm>> -> memref<100000x16xf32, #tpu.memory_space<hbm>>
    tpu.enqueue_indirect_dma source(%dma_start3A_4 : memref<100000x16xf32, #tpu.memory_space<hbm>>) target(%arg8 : memref<96x16xf32, #tpu.memory_space<vmem>>) offsets(%arg6 : memref<96xi32, #tpu.memory_space<vmem>>) semaphore(%arg10 : memref<!tpu.dma_semaphore, #tpu.memory_space<semaphore_mem>>)
    %dma_wait3A = arith.constant 0 : i32
    %dma_wait3A_5 = arith.constant 0 : i32
    %dma_wait3A_6 = tpu.memref_slice %arg4[%dma_wait3A, %dma_wait3A_5] : memref<100000x16xf32, #tpu.memory_space<hbm>> -> memref<100000x16xf32, #tpu.memory_space<hbm>>
    tpu.wait_indirect_dma semaphore(%arg10 : memref<!tpu.dma_semaphore, #tpu.memory_space<semaphore_mem>>) src(%dma_wait3A_6 : memref<100000x16xf32, #tpu.memory_space<hbm>>) dst(%arg8 : memref<96x16xf32, #tpu.memory_space<vmem>>)
    %get3A = arith.constant 0 : i32
    %get3A_7 = arith.index_cast %get3A : i32 to index
    %get3A_8 = arith.constant 0 : index
    %get3A_9 = tpu.vector_load %arg7[%get3A_7, %get3A_8] {strides = array<i32>} : memref<96x16xf32, #tpu.memory_space<vmem>>, vector<1x16xf32>,
    %get3A_10 = vector.shape_cast %get3A_9 : vector<1x16xf32> to vector<16xf32>
    %get3A_11 = arith.constant 0 : i32
    %get3A_12 = arith.index_cast %get3A_11 : i32 to index
    %get3A_13 = arith.constant 0 : index
    %get3A_14 = tpu.vector_load %arg8[%get3A_12, %get3A_13] {strides = array<i32>} : memref<96x16xf32, #tpu.memory_space<vmem>>, vector<1x16xf32>,
    %get3A_15 = vector.shape_cast %get3A_14 : vector<1x16xf32> to vector<16xf32>
    %mul3A_16 = arith.mulf %get3A_10, %get3A_15 : vector<16xf32>
    %get3A_17 = arith.constant 1 : i32
    %get3A_18 = arith.index_cast %get3A_17 : i32 to index
    %get3A_19 = arith.constant 0 : index
    %get3A_20 = tpu.vector_load %arg7[%get3A_18, %get3A_19] {strides = array<i32>} : memref<96x16xf32, #tpu.memory_space<vmem>>, vector<1x16xf32>,
    %get3A_21 = vector.shape_cast %get3A_20 : vector<1x16xf32> to vector<16xf32>
    %get3A_22 = arith.constant 1 : i32
    %get3A_23 = arith.index_cast %get3A_22 : i32 to index
    %get3A_24 = arith.constant 0 : index
    %get3A_25 = tpu.vector_load %arg8[%get3A_23, %get3A_24] {strides = array<i32>} : memref<96x16xf32, #tpu.memory_space<vmem>>, vector<1x16xf32>,
    %get3A_26 = vector.shape_cast %get3A_25 : vector<1x16xf32> to vector<16xf32>
    %mul3A_27 = arith.mulf %get3A_21, %get3A_26 : vector<16xf32>
    %add3A_28 = arith.addf %mul3A_16, %mul3A_27 : vector<16xf32>
    %get3A_29 = arith.constant 2 : i32
    %get3A_30 = arith.index_cast %get3A_29 : i32 to index
    %get3A_31 = arith.constant 0 : index
    %get3A_32 = tpu.vector_load %arg7[%get3A_30, %get3A_31] {strides = array<i32>} : memref<96x16xf32, #tpu.memory_space<vmem>>, vector<1x16xf32>,
    %get3A_33 = vector.shape_cast %get3A_32 : vector<1x16xf32> to vector<16xf32>
    %get3A_34 = arith.constant 2 : i32
    %get3A_35 = arith.index_cast %get3A_34 : i32 to index
    %get3A_36 = arith.constant 0 : index
    %get3A_37 = tpu.vector_load %arg8[%get3A_35, %get3A_36] {strides = array<i32>} : memref<96x16xf32, #tpu.memory_space<vmem>>, vector<1x16xf32>,
    %get3A_38 = vector.shape_cast %get3A_37 : vector<1x16xf32> to vector<16xf32>
    %mul3A_39 = arith.mulf %get3A_33, %get3A_38 : vector<16xf32>
    %add3A_40 = arith.addf %add3A_28, %mul3A_39 : vector<16xf32>
    %swap3A = arith.constant 0 : i32
    %swap3A_41 = arith.index_cast %swap3A : i32 to index
    %swap3A_42 = arith.constant 0 : index
    %swap3A_43 = tpu.vector_load %arg9[%swap3A_41, %swap3A_42] {strides = array<i32>} : memref<32x16xf32, #tpu.memory_space<vmem>>, vector<1x16xf32>,
    %swap3A_44 = vector.shape_cast %swap3A_43 : vector<1x16xf32> to vector<16xf32>
    %swap3A_45 = vector.shape_cast %add3A_40 : vector<16xf32> to vector<1x16xf32>
    tpu.vector_store %arg9[%swap3A_41, %swap3A_42], %swap3A_45 {strides = array<i32>} : memref<32x16xf32, #tpu.memory_space<vmem>>, vector<1x16xf32>,
    %get3A_46 = arith.constant 3 : i32
    %get3A_47 = arith.index_cast %get3A_46 : i32 to index
    %get3A_48 = arith.constant 0 : index
    %get3A_49 = tpu.vector_load %arg7[%get3A_47, %get3A_48] {strides = array<i32>} : memref<96x16xf32, #tpu.memory_space<vmem>>, vector<1x16xf32>,
    %get3A_50 = vector.shape_cast %get3A_49 : vector<1x16xf32> to vector<16xf32>
    %get3A_51 = arith.constant 3 : i32
    %get3A_52 = arith.index_cast %get3A_51 : i32 to index
    %get3A_53 = arith.constant 0 : index
    %get3A_54 = tpu.vector_load %arg8[%get3A_52, %get3A_53] {strides = array<i32>} : memref<96x16xf32, #tpu.memory_space<vmem>>, vector<1x16xf32>,
    %get3A_55 = vector.shape_cast %get3A_54 : vector<1x16xf32> to vector<16xf32>
    %mul3A_56 = arith.mulf %get3A_50, %get3A_55 : vector<16xf32>
    %get3A_57 = arith.constant 4 : i32
    %get3A_58 = arith.index_cast %get3A_57 : i32 to index
    %get3A_59 = arith.constant 0 : index
    %get3A_60 = tpu.vector_load %arg7[%get3A_58, %get3A_59] {strides = array<i32>} : memref<96x16xf32, #tpu.memory_space<vmem>>, vector<1x16xf32>,
    %get3A_61 = vector.shape_cast %get3A_60 : vector<1x16xf32> to vector<16xf32>
    %get3A_62 = arith.constant 4 : i32
    %get3A_63 = arith.index_cast %get3A_62 : i32 to index
    %get3A_64 = arith.constant 0 : index
    %get3A_65 = tpu.vector_load %arg8[%get3A_63, %get3A_64] {strides = array<i32>} : memref<96x16xf32, #tpu.memory_space<vmem>>, vector<1x16xf32>,
    %get3A_66 = vector.shape_cast %get3A_65 : vector<1x16xf32> to vector<16xf32>
    %mul3A_67 = arith.mulf %get3A_61, %get3A_66 : vector<16xf32>
    %add3A_68 = arith.addf %mul3A_56, %mul3A_67 : vector<16xf32>
    %get3A_69 = arith.constant 5 : i32
    %get3A_70 = arith.index_cast %get3A_69 : i32 to index
    %get3A_71 = arith.constant 0 : index
    %get3A_72 = tpu.vector_load %arg7[%get3A_70, %get3A_71] {strides = array<i32>} : memref<96x16xf32, #tpu.memory_space<vmem>>, vector<1x16xf32>,
    %get3A_73 = vector.shape_cast %get3A_72 : vector<1x16xf32> to vector<16xf32>
    %get3A_74 = arith.constant 5 : i32
    %get3A_75 = arith.index_cast %get3A_74 : i32 to index
    %get3A_76 = arith.constant 0 : index
    %get3A_77 = tpu.vector_load %arg8[%get3A_75, %get3A_76] {strides = array<i32>} : memref<96x16xf32, #tpu.memory_space<vmem>>, vector<1x16xf32>,
    %get3A_78 = vector.shape_cast %get3A_77 : vector<1x16xf32> to vector<16xf32>
    %mul3A_79 = arith.mulf %get3A_73, %get3A_78 : vector<16xf32>
    %add3A_80 = arith.addf %add3A_68, %mul3A_79 : vector<16xf32>
    %swap3A_81 = arith.constant 1 : i32
    %swap3A_82 = arith.index_cast %swap3A_81 : i32 to index
    %swap3A_83 = arith.constant 0 : index
    %swap3A_84 = tpu.vector_load %arg9[%swap3A_82, %swap3A_83] {strides = array<i32>} : memref<32x16xf32, #tpu.memory_space<vmem>>, vector<1x16xf32>,
    %swap3A_85 = vector.shape_cast %swap3A_84 : vector<1x16xf32> to vector<16xf32>
    %swap3A_86 = vector.shape_cast %add3A_80 : vector<16xf32> to vector<1x16xf32>
    tpu.vector_store %arg9[%swap3A_82, %swap3A_83], %swap3A_86 {strides = array<i32>} : memref<32x16xf32, #tpu.memory_space<vmem>>, vector<1x16xf32>,
    %get3A_87 = arith.constant 6 : i32
    %get3A_88 = arith.index_cast %get3A_87 : i32 to index
    %get3A_89 = arith.constant 0 : index
    %get3A_90 = tpu.vector_load %arg7[%get3A_88, %get3A_89] {strides = array<i32>} : memref<96x16xf32, #tpu.memory_space<vmem>>, vector<1x16xf32>,
    %get3A_91 = vector.shape_cast %get3A_90 : vector<1x16xf32> to vector<16xf32>
    %get3A_92 = arith.constant 6 : i32
    %get3A_93 = arith.index_cast %get3A_92 : i32 to index
    %get3A_94 = arith.constant 0 : index
    %get3A_95 = tpu.vector_load %arg8[%get3A_93, %get3A_94] {strides = array<i32>} : memref<96x16xf32, #tpu.memory_space<vmem>>, vector<1x16xf32>,
    %get3A_96 = vector.shape_cast %get3A_95 : vector<1x16xf32> to vector<16xf32>
    %mul3A_97 = arith.mulf %get3A_91, %get3A_96 : vector<16xf32>
    %get3A_98 = arith.constant 7 : i32
    %get3A_99 = arith.index_cast %get3A_98 : i32 to index
    %get3A_100 = arith.constant 0 : index
    %get3A_101 = tpu.vector_load %arg7[%get3A_99, %get3A_100] {strides = array<i32>} : memref<96x16xf32, #tpu.memory_space<vmem>>, vector<1x16xf32>,
    %get3A_102 = vector.shape_cast %get3A_101 : vector<1x16xf32> to vector<16xf32>
    %get3A_103 = arith.constant 7 : i32
    %get3A_104 = arith.index_cast %get3A_103 : i32 to index
    %get3A_105 = arith.constant 0 : index
    %get3A_106 = tpu.vector_load %arg8[%get3A_104, %get3A_105] {strides = array<i32>} : memref<96x16xf32, #tpu.memory_space<vmem>>, vector<1x16xf32>,
    %get3A_107 = vector.shape_cast %get3A_106 : vector<1x16xf32> to vector<16xf32>
    %mul3A_108 = arith.mulf %get3A_102, %get3A_107 : vector<16xf32>
    %add3A_109 = arith.addf %mul3A_97, %mul3A_108 : vector<16xf32>
    %get3A_110 = arith.constant 8 : i32
    %get3A_111 = arith.index_cast %get3A_110 : i32 to index
    %get3A_112 = arith.constant 0 : index
    %get3A_113 = tpu.vector_load %arg7[%get3A_111, %get3A_112] {strides = array<i32>} : memref<96x16xf32, #tpu.memory_space<vmem>>, vector<1x16xf32>,
    %get3A_114 = vector.shape_cast %get3A_113 : vector<1x16xf32> to vector<16xf32>
    %get3A_115 = arith.constant 8 : i32
    %get3A_116 = arith.index_cast %get3A_115 : i32 to index
    %get3A_117 = arith.constant 0 : index
    %get3A_118 = tpu.vector_load %arg8[%get3A_116, %get3A_117] {strides = array<i32>} : memref<96x16xf32, #tpu.memory_space<vmem>>, vector<1x16xf32>,
    %get3A_119 = vector.shape_cast %get3A_118 : vector<1x16xf32> to vector<16xf32>
    %mul3A_120 = arith.mulf %get3A_114, %get3A_119 : vector<16xf32>
    %add3A_121 = arith.addf %add3A_109, %mul3A_120 : vector<16xf32>
    %swap3A_122 = arith.constant 2 : i32
    %swap3A_123 = arith.index_cast %swap3A_122 : i32 to index
    %swap3A_124 = arith.constant 0 : index
    %swap3A_125 = tpu.vector_load %arg9[%swap3A_123, %swap3A_124] {strides = array<i32>} : memref<32x16xf32, #tpu.memory_space<vmem>>, vector<1x16xf32>,
    %swap3A_126 = vector.shape_cast %swap3A_125 : vector<1x16xf32> to vector<16xf32>
    %swap3A_127 = vector.shape_cast %add3A_121 : vector<16xf32> to vector<1x16xf32>
    tpu.vector_store %arg9[%swap3A_123, %swap3A_124], %swap3A_127 {strides = array<i32>} : memref<32x16xf32, #tpu.memory_space<vmem>>, vector<1x16xf32>,
    %get3A_128 = arith.constant 9 : i32
    %get3A_129 = arith.index_cast %get3A_128 : i32 to index
    %get3A_130 = arith.constant 0 : index
    %get3A_131 = tpu.vector_load %arg7[%get3A_129, %get3A_130] {strides = array<i32>} : memref<96x16xf32, #tpu.memory_space<vmem>>, vector<1x16xf32>,
    %get3A_132 = vector.shape_cast %get3A_131 : vector<1x16xf32> to vector<16xf32>
    %get3A_133 = arith.constant 9 : i32
    %get3A_134 = arith.index_cast %get3A_133 : i32 to index
    %get3A_135 = arith.constant 0 : index
    %get3A_136 = tpu.vector_load %arg8[%get3A_134, %get3A_135] {strides = array<i32>} : memref<96x16xf32, #tpu.memory_space<vmem>>, vector<1x16xf32>,
    %get3A_137 = vector.shape_cast %get3A_136 : vector<1x16xf32> to vector<16xf32>
    %mul3A_138 = arith.mulf %get3A_132, %get3A_137 : vector<16xf32>
    %get3A_139 = arith.constant 10 : i32
    %get3A_140 = arith.index_cast %get3A_139 : i32 to index
    %get3A_141 = arith.constant 0 : index
    %get3A_142 = tpu.vector_load %arg7[%get3A_140, %get3A_141] {strides = array<i32>} : memref<96x16xf32, #tpu.memory_space<vmem>>, vector<1x16xf32>,
    %get3A_143 = vector.shape_cast %get3A_142 : vector<1x16xf32> to vector<16xf32>
    %get3A_144 = arith.constant 10 : i32
    %get3A_145 = arith.index_cast %get3A_144 : i32 to index
    %get3A_146 = arith.constant 0 : index
    %get3A_147 = tpu.vector_load %arg8[%get3A_145, %get3A_146] {strides = array<i32>} : memref<96x16xf32, #tpu.memory_space<vmem>>, vector<1x16xf32>,
    %get3A_148 = vector.shape_cast %get3A_147 : vector<1x16xf32> to vector<16xf32>
    %mul3A_149 = arith.mulf %get3A_143, %get3A_148 : vector<16xf32>
    %add3A_150 = arith.addf %mul3A_138, %mul3A_149 : vector<16xf32>
    %get3A_151 = arith.constant 11 : i32
    %get3A_152 = arith.index_cast %get3A_151 : i32 to index
    %get3A_153 = arith.constant 0 : index
    %get3A_154 = tpu.vector_load %arg7[%get3A_152, %get3A_153] {strides = array<i32>} : memref<96x16xf32, #tpu.memory_space<vmem>>, vector<1x16xf32>,
    %get3A_155 = vector.shape_cast %get3A_154 : vector<1x16xf32> to vector<16xf32>
    %get3A_156 = arith.constant 11 : i32
    %get3A_157 = arith.index_cast %get3A_156 : i32 to index
    %get3A_158 = arith.constant 0 : index
    %get3A_159 = tpu.vector_load %arg8[%get3A_157, %get3A_158] {strides = array<i32>} : memref<96x16xf32, #tpu.memory_space<vmem>>, vector<1x16xf32>,
    %get3A_160 = vector.shape_cast %get3A_159 : vector<1x16xf32> to vector<16xf32>
    %mul3A_161 = arith.mulf %get3A_155, %get3A_160 : vector<16xf32>
    %add3A_162 = arith.addf %add3A_150, %mul3A_161 : vector<16xf32>
    %swap3A_163 = arith.constant 3 : i32
    %swap3A_164 = arith.index_cast %swap3A_163 : i32 to index
    %swap3A_165 = arith.constant 0 : index
    %swap3A_166 = tpu.vector_load %arg9[%swap3A_164, %swap3A_165] {strides = array<i32>} : memref<32x16xf32, #tpu.memory_space<vmem>>, vector<1x16xf32>,
    %swap3A_167 = vector.shape_cast %swap3A_166 : vector<1x16xf32> to vector<16xf32>
    %swap3A_168 = vector.shape_cast %add3A_162 : vector<16xf32> to vector<1x16xf32>
    tpu.vector_store %arg9[%swap3A_164, %swap3A_165], %swap3A_168 {strides = array<i32>} : memref<32x16xf32, #tpu.memory_space<vmem>>, vector<1x16xf32>,
    %get3A_169 = arith.constant 12 : i32
    %get3A_170 = arith.index_cast %get3A_169 : i32 to index
    %get3A_171 = arith.constant 0 : index
    %get3A_172 = tpu.vector_load %arg7[%get3A_170, %get3A_171] {strides = array<i32>} : memref<96x16xf32, #tpu.memory_space<vmem>>, vector<1x16xf32>,
    %get3A_173 = vector.shape_cast %get3A_172 : vector<1x16xf32> to vector<16xf32>
    %get3A_174 = arith.constant 12 : i32
    %get3A_175 = arith.index_cast %get3A_174 : i32 to index
    %get3A_176 = arith.constant 0 : index
    %get3A_177 = tpu.vector_load %arg8[%get3A_175, %get3A_176] {strides = array<i32>} : memref<96x16xf32, #tpu.memory_space<vmem>>, vector<1x16xf32>,
    %get3A_178 = vector.shape_cast %get3A_177 : vector<1x16xf32> to vector<16xf32>
    %mul3A_179 = arith.mulf %get3A_173, %get3A_178 : vector<16xf32>
    %get3A_180 = arith.constant 13 : i32
    %get3A_181 = arith.index_cast %get3A_180 : i32 to index
    %get3A_182 = arith.constant 0 : index
    %get3A_183 = tpu.vector_load %arg7[%get3A_181, %get3A_182] {strides = array<i32>} : memref<96x16xf32, #tpu.memory_space<vmem>>, vector<1x16xf32>,
    %get3A_184 = vector.shape_cast %get3A_183 : vector<1x16xf32> to vector<16xf32>
    %get3A_185 = arith.constant 13 : i32
    %get3A_186 = arith.index_cast %get3A_185 : i32 to index
    %get3A_187 = arith.constant 0 : index
    %get3A_188 = tpu.vector_load %arg8[%get3A_186, %get3A_187] {strides = array<i32>} : memref<96x16xf32, #tpu.memory_space<vmem>>, vector<1x16xf32>,
    %get3A_189 = vector.shape_cast %get3A_188 : vector<1x16xf32> to vector<16xf32>
    %mul3A_190 = arith.mulf %get3A_184, %get3A_189 : vector<16xf32>
    %add3A_191 = arith.addf %mul3A_179, %mul3A_190 : vector<16xf32>
    %get3A_192 = arith.constant 14 : i32
    %get3A_193 = arith.index_cast %get3A_192 : i32 to index
    %get3A_194 = arith.constant 0 : index
    %get3A_195 = tpu.vector_load %arg7[%get3A_193, %get3A_194] {strides = array<i32>} : memref<96x16xf32, #tpu.memory_space<vmem>>, vector<1x16xf32>,
    %get3A_196 = vector.shape_cast %get3A_195 : vector<1x16xf32> to vector<16xf32>
    %get3A_197 = arith.constant 14 : i32
    %get3A_198 = arith.index_cast %get3A_197 : i32 to index
    %get3A_199 = arith.constant 0 : index
    %get3A_200 = tpu.vector_load %arg8[%get3A_198, %get3A_199] {strides = array<i32>} : memref<96x16xf32, #tpu.memory_space<vmem>>, vector<1x16xf32>,
    %get3A_201 = vector.shape_cast %get3A_200 : vector<1x16xf32> to vector<16xf32>
    %mul3A_202 = arith.mulf %get3A_196, %get3A_201 : vector<16xf32>
    %add3A_203 = arith.addf %add3A_191, %mul3A_202 : vector<16xf32>
    %swap3A_204 = arith.constant 4 : i32
    %swap3A_205 = arith.index_cast %swap3A_204 : i32 to index
    %swap3A_206 = arith.constant 0 : index
    %swap3A_207 = tpu.vector_load %arg9[%swap3A_205, %swap3A_206] {strides = array<i32>} : memref<32x16xf32, #tpu.memory_space<vmem>>, vector<1x16xf32>,
    %swap3A_208 = vector.shape_cast %swap3A_207 : vector<1x16xf32> to vector<16xf32>
    %swap3A_209 = vector.shape_cast %add3A_203 : vector<16xf32> to vector<1x16xf32>
    tpu.vector_store %arg9[%swap3A_205, %swap3A_206], %swap3A_209 {strides = array<i32>} : memref<32x16xf32, #tpu.memory_space<vmem>>, vector<1x16xf32>,
    %get3A_210 = arith.constant 15 : i32
    %get3A_211 = arith.index_cast %get3A_210 : i32 to index
    %get3A_212 = arith.constant 0 : index
    %get3A_213 = tpu.vector_load %arg7[%get3A_211, %get3A_212] {strides = array<i32>} : memref<96x16xf32, #tpu.memory_space<vmem>>, vector<1x16xf32>,
    %get3A_214 = vector.shape_cast %get3A_213 : vector<1x16xf32> to vector<16xf32>
    %get3A_215 = arith.constant 15 : i32
    %get3A_216 = arith.index_cast %get3A_215 : i32 to index
    %get3A_217 = arith.constant 0 : index
    %get3A_218 = tpu.vector_load %arg8[%get3A_216, %get3A_217] {strides = array<i32>} : memref<96x16xf32, #tpu.memory_space<vmem>>, vector<1x16xf32>,
    %get3A_219 = vector.shape_cast %get3A_218 : vector<1x16xf32> to vector<16xf32>
    %mul3A_220 = arith.mulf %get3A_214, %get3A_219 : vector<16xf32>
    %get3A_221 = arith.constant 16 : i32
    %get3A_222 = arith.index_cast %get3A_221 : i32 to index
    %get3A_223 = arith.constant 0 : index
    %get3A_224 = tpu.vector_load %arg7[%get3A_222, %get3A_223] {strides = array<i32>} : memref<96x16xf32, #tpu.memory_space<vmem>>, vector<1x16xf32>,
    %get3A_225 = vector.shape_cast %get3A_224 : vector<1x16xf32> to vector<16xf32>
    %get3A_226 = arith.constant 16 : i32
    %get3A_227 = arith.index_cast %get3A_226 : i32 to index
    %get3A_228 = arith.constant 0 : index
    %get3A_229 = tpu.vector_load %arg8[%get3A_227, %get3A_228] {strides = array<i32>} : memref<96x16xf32, #tpu.memory_space<vmem>>, vector<1x16xf32>,
    %get3A_230 = vector.shape_cast %get3A_229 : vector<1x16xf32> to vector<16xf32>
    %mul3A_231 = arith.mulf %get3A_225, %get3A_230 : vector<16xf32>
    %add3A_232 = arith.addf %mul3A_220, %mul3A_231 : vector<16xf32>
    %get3A_233 = arith.constant 17 : i32
    %get3A_234 = arith.index_cast %get3A_233 : i32 to index
    %get3A_235 = arith.constant 0 : index
    %get3A_236 = tpu.vector_load %arg7[%get3A_234, %get3A_235] {strides = array<i32>} : memref<96x16xf32, #tpu.memory_space<vmem>>, vector<1x16xf32>,
    %get3A_237 = vector.shape_cast %get3A_236 : vector<1x16xf32> to vector<16xf32>
    %get3A_238 = arith.constant 17 : i32
    %get3A_239 = arith.index_cast %get3A_238 : i32 to index
    %get3A_240 = arith.constant 0 : index
    %get3A_241 = tpu.vector_load %arg8[%get3A_239, %get3A_240] {strides = array<i32>} : memref<96x16xf32, #tpu.memory_space<vmem>>, vector<1x16xf32>,
    %get3A_242 = vector.shape_cast %get3A_241 : vector<1x16xf32> to vector<16xf32>
    %mul3A_243 = arith.mulf %get3A_237, %get3A_242 : vector<16xf32>
    %add3A_244 = arith.addf %add3A_232, %mul3A_243 : vector<16xf32>
    %swap3A_245 = arith.constant 5 : i32
    %swap3A_246 = arith.index_cast %swap3A_245 : i32 to index
    %swap3A_247 = arith.constant 0 : index
    %swap3A_248 = tpu.vector_load %arg9[%swap3A_246, %swap3A_247] {strides = array<i32>} : memref<32x16xf32, #tpu.memory_space<vmem>>, vector<1x16xf32>,
    %swap3A_249 = vector.shape_cast %swap3A_248 : vector<1x16xf32> to vector<16xf32>
    %swap3A_250 = vector.shape_cast %add3A_244 : vector<16xf32> to vector<1x16xf32>
    tpu.vector_store %arg9[%swap3A_246, %swap3A_247], %swap3A_250 {strides = array<i32>} : memref<32x16xf32, #tpu.memory_space<vmem>>, vector<1x16xf32>,
    %get3A_251 = arith.constant 18 : i32
    %get3A_252 = arith.index_cast %get3A_251 : i32 to index
    %get3A_253 = arith.constant 0 : index
    %get3A_254 = tpu.vector_load %arg7[%get3A_252, %get3A_253] {strides = array<i32>} : memref<96x16xf32, #tpu.memory_space<vmem>>, vector<1x16xf32>,
    %get3A_255 = vector.shape_cast %get3A_254 : vector<1x16xf32> to vector<16xf32>
    %get3A_256 = arith.constant 18 : i32
    %get3A_257 = arith.index_cast %get3A_256 : i32 to index
    %get3A_258 = arith.constant 0 : index
    %get3A_259 = tpu.vector_load %arg8[%get3A_257, %get3A_258] {strides = array<i32>} : memref<96x16xf32, #tpu.memory_space<vmem>>, vector<1x16xf32>,
    %get3A_260 = vector.shape_cast %get3A_259 : vector<1x16xf32> to vector<16xf32>
    %mul3A_261 = arith.mulf %get3A_255, %get3A_260 : vector<16xf32>
    %get3A_262 = arith.constant 19 : i32
    %get3A_263 = arith.index_cast %get3A_262 : i32 to index
    %get3A_264 = arith.constant 0 : index
    %get3A_265 = tpu.vector_load %arg7[%get3A_263, %get3A_264] {strides = array<i32>} : memref<96x16xf32, #tpu.memory_space<vmem>>, vector<1x16xf32>,
    %get3A_266 = vector.shape_cast %get3A_265 : vector<1x16xf32> to vector<16xf32>
    %get3A_267 = arith.constant 19 : i32
    %get3A_268 = arith.index_cast %get3A_267 : i32 to index
    %get3A_269 = arith.constant 0 : index
    %get3A_270 = tpu.vector_load %arg8[%get3A_268, %get3A_269] {strides = array<i32>} : memref<96x16xf32, #tpu.memory_space<vmem>>, vector<1x16xf32>,
    %get3A_271 = vector.shape_cast %get3A_270 : vector<1x16xf32> to vector<16xf32>
    %mul3A_272 = arith.mulf %get3A_266, %get3A_271 : vector<16xf32>
    %add3A_273 = arith.addf %mul3A_261, %mul3A_272 : vector<16xf32>
    %get3A_274 = arith.constant 20 : i32
    %get3A_275 = arith.index_cast %get3A_274 : i32 to index
    %get3A_276 = arith.constant 0 : index
    %get3A_277 = tpu.vector_load %arg7[%get3A_275, %get3A_276] {strides = array<i32>} : memref<96x16xf32, #tpu.memory_space<vmem>>, vector<1x16xf32>,
    %get3A_278 = vector.shape_cast %get3A_277 : vector<1x16xf32> to vector<16xf32>
    %get3A_279 = arith.constant 20 : i32
    %get3A_280 = arith.index_cast %get3A_279 : i32 to index
    %get3A_281 = arith.constant 0 : index
    %get3A_282 = tpu.vector_load %arg8[%get3A_280, %get3A_281] {strides = array<i32>} : memref<96x16xf32, #tpu.memory_space<vmem>>, vector<1x16xf32>,
    %get3A_283 = vector.shape_cast %get3A_282 : vector<1x16xf32> to vector<16xf32>
    %mul3A_284 = arith.mulf %get3A_278, %get3A_283 : vector<16xf32>
    %add3A_285 = arith.addf %add3A_273, %mul3A_284 : vector<16xf32>
    %swap3A_286 = arith.constant 6 : i32
    %swap3A_287 = arith.index_cast %swap3A_286 : i32 to index
    %swap3A_288 = arith.constant 0 : index
    %swap3A_289 = tpu.vector_load %arg9[%swap3A_287, %swap3A_288] {strides = array<i32>} : memref<32x16xf32, #tpu.memory_space<vmem>>, vector<1x16xf32>,
    %swap3A_290 = vector.shape_cast %swap3A_289 : vector<1x16xf32> to vector<16xf32>
    %swap3A_291 = vector.shape_cast %add3A_285 : vector<16xf32> to vector<1x16xf32>
    tpu.vector_store %arg9[%swap3A_287, %swap3A_288], %swap3A_291 {strides = array<i32>} : memref<32x16xf32, #tpu.memory_space<vmem>>, vector<1x16xf32>,
    %get3A_292 = arith.constant 21 : i32
    %get3A_293 = arith.index_cast %get3A_292 : i32 to index
    %get3A_294 = arith.constant 0 : index
    %get3A_295 = tpu.vector_load %arg7[%get3A_293, %get3A_294] {strides = array<i32>} : memref<96x16xf32, #tpu.memory_space<vmem>>, vector<1x16xf32>,
    %get3A_296 = vector.shape_cast %get3A_295 : vector<1x16xf32> to vector<16xf32>
    %get3A_297 = arith.constant 21 : i32
    %get3A_298 = arith.index_cast %get3A_297 : i32 to index
    %get3A_299 = arith.constant 0 : index
    %get3A_300 = tpu.vector_load %arg8[%get3A_298, %get3A_299] {strides = array<i32>} : memref<96x16xf32, #tpu.memory_space<vmem>>, vector<1x16xf32>,
    %get3A_301 = vector.shape_cast %get3A_300 : vector<1x16xf32> to vector<16xf32>
    %mul3A_302 = arith.mulf %get3A_296, %get3A_301 : vector<16xf32>
    %get3A_303 = arith.constant 22 : i32
    %get3A_304 = arith.index_cast %get3A_303 : i32 to index
    %get3A_305 = arith.constant 0 : index
    %get3A_306 = tpu.vector_load %arg7[%get3A_304, %get3A_305] {strides = array<i32>} : memref<96x16xf32, #tpu.memory_space<vmem>>, vector<1x16xf32>,
    %get3A_307 = vector.shape_cast %get3A_306 : vector<1x16xf32> to vector<16xf32>
    %get3A_308 = arith.constant 22 : i32
    %get3A_309 = arith.index_cast %get3A_308 : i32 to index
    %get3A_310 = arith.constant 0 : index
    %get3A_311 = tpu.vector_load %arg8[%get3A_309, %get3A_310] {strides = array<i32>} : memref<96x16xf32, #tpu.memory_space<vmem>>, vector<1x16xf32>,
    %get3A_312 = vector.shape_cast %get3A_311 : vector<1x16xf32> to vector<16xf32>
    %mul3A_313 = arith.mulf %get3A_307, %get3A_312 : vector<16xf32>
    %add3A_314 = arith.addf %mul3A_302, %mul3A_313 : vector<16xf32>
    %get3A_315 = arith.constant 23 : i32
    %get3A_316 = arith.index_cast %get3A_315 : i32 to index
    %get3A_317 = arith.constant 0 : index
    %get3A_318 = tpu.vector_load %arg7[%get3A_316, %get3A_317] {strides = array<i32>} : memref<96x16xf32, #tpu.memory_space<vmem>>, vector<1x16xf32>,
    %get3A_319 = vector.shape_cast %get3A_318 : vector<1x16xf32> to vector<16xf32>
    %get3A_320 = arith.constant 23 : i32
    %get3A_321 = arith.index_cast %get3A_320 : i32 to index
    %get3A_322 = arith.constant 0 : index
    %get3A_323 = tpu.vector_load %arg8[%get3A_321, %get3A_322] {strides = array<i32>} : memref<96x16xf32, #tpu.memory_space<vmem>>, vector<1x16xf32>,
    %get3A_324 = vector.shape_cast %get3A_323 : vector<1x16xf32> to vector<16xf32>
    %mul3A_325 = arith.mulf %get3A_319, %get3A_324 : vector<16xf32>
    %add3A_326 = arith.addf %add3A_314, %mul3A_325 : vector<16xf32>
    %swap3A_327 = arith.constant 7 : i32
    %swap3A_328 = arith.index_cast %swap3A_327 : i32 to index
    %swap3A_329 = arith.constant 0 : index
    %swap3A_330 = tpu.vector_load %arg9[%swap3A_328, %swap3A_329] {strides = array<i32>} : memref<32x16xf32, #tpu.memory_space<vmem>>, vector<1x16xf32>,
    %swap3A_331 = vector.shape_cast %swap3A_330 : vector<1x16xf32> to vector<16xf32>
    %swap3A_332 = vector.shape_cast %add3A_326 : vector<16xf32> to vector<1x16xf32>
    tpu.vector_store %arg9[%swap3A_328, %swap3A_329], %swap3A_332 {strides = array<i32>} : memref<32x16xf32, #tpu.memory_space<vmem>>, vector<1x16xf32>,
    %get3A_333 = arith.constant 24 : i32
    %get3A_334 = arith.index_cast %get3A_333 : i32 to index
    %get3A_335 = arith.constant 0 : index
    %get3A_336 = tpu.vector_load %arg7[%get3A_334, %get3A_335] {strides = array<i32>} : memref<96x16xf32, #tpu.memory_space<vmem>>, vector<1x16xf32>,
    %get3A_337 = vector.shape_cast %get3A_336 : vector<1x16xf32> to vector<16xf32>
    %get3A_338 = arith.constant 24 : i32
    %get3A_339 = arith.index_cast %get3A_338 : i32 to index
    %get3A_340 = arith.constant 0 : index
    %get3A_341 = tpu.vector_load %arg8[%get3A_339, %get3A_340] {strides = array<i32>} : memref<96x16xf32, #tpu.memory_space<vmem>>, vector<1x16xf32>,
    %get3A_342 = vector.shape_cast %get3A_341 : vector<1x16xf32> to vector<16xf32>
    %mul3A_343 = arith.mulf %get3A_337, %get3A_342 : vector<16xf32>
    %get3A_344 = arith.constant 25 : i32
    %get3A_345 = arith.index_cast %get3A_344 : i32 to index
    %get3A_346 = arith.constant 0 : index
    %get3A_347 = tpu.vector_load %arg7[%get3A_345, %get3A_346] {strides = array<i32>} : memref<96x16xf32, #tpu.memory_space<vmem>>, vector<1x16xf32>,
    %get3A_348 = vector.shape_cast %get3A_347 : vector<1x16xf32> to vector<16xf32>
    %get3A_349 = arith.constant 25 : i32
    %get3A_350 = arith.index_cast %get3A_349 : i32 to index
    %get3A_351 = arith.constant 0 : index
    %get3A_352 = tpu.vector_load %arg8[%get3A_350, %get3A_351] {strides = array<i32>} : memref<96x16xf32, #tpu.memory_space<vmem>>, vector<1x16xf32>,
    %get3A_353 = vector.shape_cast %get3A_352 : vector<1x16xf32> to vector<16xf32>
    %mul3A_354 = arith.mulf %get3A_348, %get3A_353 : vector<16xf32>
    %add3A_355 = arith.addf %mul3A_343, %mul3A_354 : vector<16xf32>
    %get3A_356 = arith.constant 26 : i32
    %get3A_357 = arith.index_cast %get3A_356 : i32 to index
    %get3A_358 = arith.constant 0 : index
    %get3A_359 = tpu.vector_load %arg7[%get3A_357, %get3A_358] {strides = array<i32>} : memref<96x16xf32, #tpu.memory_space<vmem>>, vector<1x16xf32>,
    %get3A_360 = vector.shape_cast %get3A_359 : vector<1x16xf32> to vector<16xf32>
    %get3A_361 = arith.constant 26 : i32
    %get3A_362 = arith.index_cast %get3A_361 : i32 to index
    %get3A_363 = arith.constant 0 : index
    %get3A_364 = tpu.vector_load %arg8[%get3A_362, %get3A_363] {strides = array<i32>} : memref<96x16xf32, #tpu.memory_space<vmem>>, vector<1x16xf32>,
    %get3A_365 = vector.shape_cast %get3A_364 : vector<1x16xf32> to vector<16xf32>
    %mul3A_366 = arith.mulf %get3A_360, %get3A_365 : vector<16xf32>
    %add3A_367 = arith.addf %add3A_355, %mul3A_366 : vector<16xf32>
    %swap3A_368 = arith.constant 8 : i32
    %swap3A_369 = arith.index_cast %swap3A_368 : i32 to index
    %swap3A_370 = arith.constant 0 : index
    %swap3A_371 = tpu.vector_load %arg9[%swap3A_369, %swap3A_370] {strides = array<i32>} : memref<32x16xf32, #tpu.memory_space<vmem>>, vector<1x16xf32>,
    %swap3A_372 = vector.shape_cast %swap3A_371 : vector<1x16xf32> to vector<16xf32>
    %swap3A_373 = vector.shape_cast %add3A_367 : vector<16xf32> to vector<1x16xf32>
    tpu.vector_store %arg9[%swap3A_369, %swap3A_370], %swap3A_373 {strides = array<i32>} : memref<32x16xf32, #tpu.memory_space<vmem>>, vector<1x16xf32>,
    %get3A_374 = arith.constant 27 : i32
    %get3A_375 = arith.index_cast %get3A_374 : i32 to index
    %get3A_376 = arith.constant 0 : index
    %get3A_377 = tpu.vector_load %arg7[%get3A_375, %get3A_376] {strides = array<i32>} : memref<96x16xf32, #tpu.memory_space<vmem>>, vector<1x16xf32>,
    %get3A_378 = vector.shape_cast %get3A_377 : vector<1x16xf32> to vector<16xf32>
    %get3A_379 = arith.constant 27 : i32
    %get3A_380 = arith.index_cast %get3A_379 : i32 to index
    %get3A_381 = arith.constant 0 : index
    %get3A_382 = tpu.vector_load %arg8[%get3A_380, %get3A_381] {strides = array<i32>} : memref<96x16xf32, #tpu.memory_space<vmem>>, vector<1x16xf32>,
    %get3A_383 = vector.shape_cast %get3A_382 : vector<1x16xf32> to vector<16xf32>
    %mul3A_384 = arith.mulf %get3A_378, %get3A_383 : vector<16xf32>
    %get3A_385 = arith.constant 28 : i32
    %get3A_386 = arith.index_cast %get3A_385 : i32 to index
    %get3A_387 = arith.constant 0 : index
    %get3A_388 = tpu.vector_load %arg7[%get3A_386, %get3A_387] {strides = array<i32>} : memref<96x16xf32, #tpu.memory_space<vmem>>, vector<1x16xf32>,
    %get3A_389 = vector.shape_cast %get3A_388 : vector<1x16xf32> to vector<16xf32>
    %get3A_390 = arith.constant 28 : i32
    %get3A_391 = arith.index_cast %get3A_390 : i32 to index
    %get3A_392 = arith.constant 0 : index
    %get3A_393 = tpu.vector_load %arg8[%get3A_391, %get3A_392] {strides = array<i32>} : memref<96x16xf32, #tpu.memory_space<vmem>>, vector<1x16xf32>,
    %get3A_394 = vector.shape_cast %get3A_393 : vector<1x16xf32> to vector<16xf32>
    %mul3A_395 = arith.mulf %get3A_389, %get3A_394 : vector<16xf32>
    %add3A_396 = arith.addf %mul3A_384, %mul3A_395 : vector<16xf32>
    %get3A_397 = arith.constant 29 : i32
    %get3A_398 = arith.index_cast %get3A_397 : i32 to index
    %get3A_399 = arith.constant 0 : index
    %get3A_400 = tpu.vector_load %arg7[%get3A_398, %get3A_399] {strides = array<i32>} : memref<96x16xf32, #tpu.memory_space<vmem>>, vector<1x16xf32>,
    %get3A_401 = vector.shape_cast %get3A_400 : vector<1x16xf32> to vector<16xf32>
    %get3A_402 = arith.constant 29 : i32
    %get3A_403 = arith.index_cast %get3A_402 : i32 to index
    %get3A_404 = arith.constant 0 : index
    %get3A_405 = tpu.vector_load %arg8[%get3A_403, %get3A_404] {strides = array<i32>} : memref<96x16xf32, #tpu.memory_space<vmem>>, vector<1x16xf32>,
    %get3A_406 = vector.shape_cast %get3A_405 : vector<1x16xf32> to vector<16xf32>
    %mul3A_407 = arith.mulf %get3A_401, %get3A_406 : vector<16xf32>
    %add3A_408 = arith.addf %add3A_396, %mul3A_407 : vector<16xf32>
    %swap3A_409 = arith.constant 9 : i32
    %swap3A_410 = arith.index_cast %swap3A_409 : i32 to index
    %swap3A_411 = arith.constant 0 : index
    %swap3A_412 = tpu.vector_load %arg9[%swap3A_410, %swap3A_411] {strides = array<i32>} : memref<32x16xf32, #tpu.memory_space<vmem>>, vector<1x16xf32>,
    %swap3A_413 = vector.shape_cast %swap3A_412 : vector<1x16xf32> to vector<16xf32>
    %swap3A_414 = vector.shape_cast %add3A_408 : vector<16xf32> to vector<1x16xf32>
    tpu.vector_store %arg9[%swap3A_410, %swap3A_411], %swap3A_414 {strides = array<i32>} : memref<32x16xf32, #tpu.memory_space<vmem>>, vector<1x16xf32>,
    %get3A_415 = arith.constant 30 : i32
    %get3A_416 = arith.index_cast %get3A_415 : i32 to index
    %get3A_417 = arith.constant 0 : index
    %get3A_418 = tpu.vector_load %arg7[%get3A_416, %get3A_417] {strides = array<i32>} : memref<96x16xf32, #tpu.memory_space<vmem>>, vector<1x16xf32>,
    %get3A_419 = vector.shape_cast %get3A_418 : vector<1x16xf32> to vector<16xf32>
    %get3A_420 = arith.constant 30 : i32
    %get3A_421 = arith.index_cast %get3A_420 : i32 to index
    %get3A_422 = arith.constant 0 : index
    %get3A_423 = tpu.vector_load %arg8[%get3A_421, %get3A_422] {strides = array<i32>} : memref<96x16xf32, #tpu.memory_space<vmem>>, vector<1x16xf32>,
    %get3A_424 = vector.shape_cast %get3A_423 : vector<1x16xf32> to vector<16xf32>
    %mul3A_425 = arith.mulf %get3A_419, %get3A_424 : vector<16xf32>
    %get3A_426 = arith.constant 31 : i32
    %get3A_427 = arith.index_cast %get3A_426 : i32 to index
    %get3A_428 = arith.constant 0 : index
    %get3A_429 = tpu.vector_load %arg7[%get3A_427, %get3A_428] {strides = array<i32>} : memref<96x16xf32, #tpu.memory_space<vmem>>, vector<1x16xf32>,
    %get3A_430 = vector.shape_cast %get3A_429 : vector<1x16xf32> to vector<16xf32>
    %get3A_431 = arith.constant 31 : i32
    %get3A_432 = arith.index_cast %get3A_431 : i32 to index
    %get3A_433 = arith.constant 0 : index
    %get3A_434 = tpu.vector_load %arg8[%get3A_432, %get3A_433] {strides = array<i32>} : memref<96x16xf32, #tpu.memory_space<vmem>>, vector<1x16xf32>,
    %get3A_435 = vector.shape_cast %get3A_434 : vector<1x16xf32> to vector<16xf32>
    %mul3A_436 = arith.mulf %get3A_430, %get3A_435 : vector<16xf32>
    %add3A_437 = arith.addf %mul3A_425, %mul3A_436 : vector<16xf32>
    %get3A_438 = arith.constant 32 : i32
    %get3A_439 = arith.index_cast %get3A_438 : i32 to index
    %get3A_440 = arith.constant 0 : index
    %get3A_441 = tpu.vector_load %arg7[%get3A_439, %get3A_440] {strides = array<i32>} : memref<96x16xf32, #tpu.memory_space<vmem>>, vector<1x16xf32>,
    %get3A_442 = vector.shape_cast %get3A_441 : vector<1x16xf32> to vector<16xf32>
    %get3A_443 = arith.constant 32 : i32
    %get3A_444 = arith.index_cast %get3A_443 : i32 to index
    %get3A_445 = arith.constant 0 : index
    %get3A_446 = tpu.vector_load %arg8[%get3A_444, %get3A_445] {strides = array<i32>} : memref<96x16xf32, #tpu.memory_space<vmem>>, vector<1x16xf32>,
    %get3A_447 = vector.shape_cast %get3A_446 : vector<1x16xf32> to vector<16xf32>
    %mul3A_448 = arith.mulf %get3A_442, %get3A_447 : vector<16xf32>
    %add3A_449 = arith.addf %add3A_437, %mul3A_448 : vector<16xf32>
    %swap3A_450 = arith.constant 10 : i32
    %swap3A_451 = arith.index_cast %swap3A_450 : i32 to index
    %swap3A_452 = arith.constant 0 : index
    %swap3A_453 = tpu.vector_load %arg9[%swap3A_451, %swap3A_452] {strides = array<i32>} : memref<32x16xf32, #tpu.memory_space<vmem>>, vector<1x16xf32>,
    %swap3A_454 = vector.shape_cast %swap3A_453 : vector<1x16xf32> to vector<16xf32>
    %swap3A_455 = vector.shape_cast %add3A_449 : vector<16xf32> to vector<1x16xf32>
    tpu.vector_store %arg9[%swap3A_451, %swap3A_452], %swap3A_455 {strides = array<i32>} : memref<32x16xf32, #tpu.memory_space<vmem>>, vector<1x16xf32>,
    %get3A_456 = arith.constant 33 : i32
    %get3A_457 = arith.index_cast %get3A_456 : i32 to index
    %get3A_458 = arith.constant 0 : index
    %get3A_459 = tpu.vector_load %arg7[%get3A_457, %get3A_458] {strides = array<i32>} : memref<96x16xf32, #tpu.memory_space<vmem>>, vector<1x16xf32>,
    %get3A_460 = vector.shape_cast %get3A_459 : vector<1x16xf32> to vector<16xf32>
    %get3A_461 = arith.constant 33 : i32
    %get3A_462 = arith.index_cast %get3A_461 : i32 to index
    %get3A_463 = arith.constant 0 : index
    %get3A_464 = tpu.vector_load %arg8[%get3A_462, %get3A_463] {strides = array<i32>} : memref<96x16xf32, #tpu.memory_space<vmem>>, vector<1x16xf32>,
    %get3A_465 = vector.shape_cast %get3A_464 : vector<1x16xf32> to vector<16xf32>
    %mul3A_466 = arith.mulf %get3A_460, %get3A_465 : vector<16xf32>
    %get3A_467 = arith.constant 34 : i32
    %get3A_468 = arith.index_cast %get3A_467 : i32 to index
    %get3A_469 = arith.constant 0 : index
    %get3A_470 = tpu.vector_load %arg7[%get3A_468, %get3A_469] {strides = array<i32>} : memref<96x16xf32, #tpu.memory_space<vmem>>, vector<1x16xf32>,
    %get3A_471 = vector.shape_cast %get3A_470 : vector<1x16xf32> to vector<16xf32>
    %get3A_472 = arith.constant 34 : i32
    %get3A_473 = arith.index_cast %get3A_472 : i32 to index
    %get3A_474 = arith.constant 0 : index
    %get3A_475 = tpu.vector_load %arg8[%get3A_473, %get3A_474] {strides = array<i32>} : memref<96x16xf32, #tpu.memory_space<vmem>>, vector<1x16xf32>,
    %get3A_476 = vector.shape_cast %get3A_475 : vector<1x16xf32> to vector<16xf32>
    %mul3A_477 = arith.mulf %get3A_471, %get3A_476 : vector<16xf32>
    %add3A_478 = arith.addf %mul3A_466, %mul3A_477 : vector<16xf32>
    %get3A_479 = arith.constant 35 : i32
    %get3A_480 = arith.index_cast %get3A_479 : i32 to index
    %get3A_481 = arith.constant 0 : index
    %get3A_482 = tpu.vector_load %arg7[%get3A_480, %get3A_481] {strides = array<i32>} : memref<96x16xf32, #tpu.memory_space<vmem>>, vector<1x16xf32>,
    %get3A_483 = vector.shape_cast %get3A_482 : vector<1x16xf32> to vector<16xf32>
    %get3A_484 = arith.constant 35 : i32
    %get3A_485 = arith.index_cast %get3A_484 : i32 to index
    %get3A_486 = arith.constant 0 : index
    %get3A_487 = tpu.vector_load %arg8[%get3A_485, %get3A_486] {strides = array<i32>} : memref<96x16xf32, #tpu.memory_space<vmem>>, vector<1x16xf32>,
    %get3A_488 = vector.shape_cast %get3A_487 : vector<1x16xf32> to vector<16xf32>
    %mul3A_489 = arith.mulf %get3A_483, %get3A_488 : vector<16xf32>
    %add3A_490 = arith.addf %add3A_478, %mul3A_489 : vector<16xf32>
    %swap3A_491 = arith.constant 11 : i32
    %swap3A_492 = arith.index_cast %swap3A_491 : i32 to index
    %swap3A_493 = arith.constant 0 : index
    %swap3A_494 = tpu.vector_load %arg9[%swap3A_492, %swap3A_493] {strides = array<i32>} : memref<32x16xf32, #tpu.memory_space<vmem>>, vector<1x16xf32>,
    %swap3A_495 = vector.shape_cast %swap3A_494 : vector<1x16xf32> to vector<16xf32>
    %swap3A_496 = vector.shape_cast %add3A_490 : vector<16xf32> to vector<1x16xf32>
    tpu.vector_store %arg9[%swap3A_492, %swap3A_493], %swap3A_496 {strides = array<i32>} : memref<32x16xf32, #tpu.memory_space<vmem>>, vector<1x16xf32>,
    %get3A_497 = arith.constant 36 : i32
    %get3A_498 = arith.index_cast %get3A_497 : i32 to index
    %get3A_499 = arith.constant 0 : index
    %get3A_500 = tpu.vector_load %arg7[%get3A_498, %get3A_499] {strides = array<i32>} : memref<96x16xf32, #tpu.memory_space<vmem>>, vector<1x16xf32>,
    %get3A_501 = vector.shape_cast %get3A_500 : vector<1x16xf32> to vector<16xf32>
    %get3A_502 = arith.constant 36 : i32
    %get3A_503 = arith.index_cast %get3A_502 : i32 to index
    %get3A_504 = arith.constant 0 : index
    %get3A_505 = tpu.vector_load %arg8[%get3A_503, %get3A_504] {strides = array<i32>} : memref<96x16xf32, #tpu.memory_space<vmem>>, vector<1x16xf32>,
    %get3A_506 = vector.shape_cast %get3A_505 : vector<1x16xf32> to vector<16xf32>
    %mul3A_507 = arith.mulf %get3A_501, %get3A_506 : vector<16xf32>
    %get3A_508 = arith.constant 37 : i32
    %get3A_509 = arith.index_cast %get3A_508 : i32 to index
    %get3A_510 = arith.constant 0 : index
    %get3A_511 = tpu.vector_load %arg7[%get3A_509, %get3A_510] {strides = array<i32>} : memref<96x16xf32, #tpu.memory_space<vmem>>, vector<1x16xf32>,
    %get3A_512 = vector.shape_cast %get3A_511 : vector<1x16xf32> to vector<16xf32>
    %get3A_513 = arith.constant 37 : i32
    %get3A_514 = arith.index_cast %get3A_513 : i32 to index
    %get3A_515 = arith.constant 0 : index
    %get3A_516 = tpu.vector_load %arg8[%get3A_514, %get3A_515] {strides = array<i32>} : memref<96x16xf32, #tpu.memory_space<vmem>>, vector<1x16xf32>,
    %get3A_517 = vector.shape_cast %get3A_516 : vector<1x16xf32> to vector<16xf32>
    %mul3A_518 = arith.mulf %get3A_512, %get3A_517 : vector<16xf32>
    %add3A_519 = arith.addf %mul3A_507, %mul3A_518 : vector<16xf32>
    %get3A_520 = arith.constant 38 : i32
    %get3A_521 = arith.index_cast %get3A_520 : i32 to index
    %get3A_522 = arith.constant 0 : index
    %get3A_523 = tpu.vector_load %arg7[%get3A_521, %get3A_522] {strides = array<i32>} : memref<96x16xf32, #tpu.memory_space<vmem>>, vector<1x16xf32>,
    %get3A_524 = vector.shape_cast %get3A_523 : vector<1x16xf32> to vector<16xf32>
    %get3A_525 = arith.constant 38 : i32
    %get3A_526 = arith.index_cast %get3A_525 : i32 to index
    %get3A_527 = arith.constant 0 : index
    %get3A_528 = tpu.vector_load %arg8[%get3A_526, %get3A_527] {strides = array<i32>} : memref<96x16xf32, #tpu.memory_space<vmem>>, vector<1x16xf32>,
    %get3A_529 = vector.shape_cast %get3A_528 : vector<1x16xf32> to vector<16xf32>
    %mul3A_530 = arith.mulf %get3A_524, %get3A_529 : vector<16xf32>
    %add3A_531 = arith.addf %add3A_519, %mul3A_530 : vector<16xf32>
    %swap3A_532 = arith.constant 12 : i32
    %swap3A_533 = arith.index_cast %swap3A_532 : i32 to index
    %swap3A_534 = arith.constant 0 : index
    %swap3A_535 = tpu.vector_load %arg9[%swap3A_533, %swap3A_534] {strides = array<i32>} : memref<32x16xf32, #tpu.memory_space<vmem>>, vector<1x16xf32>,
    %swap3A_536 = vector.shape_cast %swap3A_535 : vector<1x16xf32> to vector<16xf32>
    %swap3A_537 = vector.shape_cast %add3A_531 : vector<16xf32> to vector<1x16xf32>
    tpu.vector_store %arg9[%swap3A_533, %swap3A_534], %swap3A_537 {strides = array<i32>} : memref<32x16xf32, #tpu.memory_space<vmem>>, vector<1x16xf32>,
    %get3A_538 = arith.constant 39 : i32
    %get3A_539 = arith.index_cast %get3A_538 : i32 to index
    %get3A_540 = arith.constant 0 : index
    %get3A_541 = tpu.vector_load %arg7[%get3A_539, %get3A_540] {strides = array<i32>} : memref<96x16xf32, #tpu.memory_space<vmem>>, vector<1x16xf32>,
    %get3A_542 = vector.shape_cast %get3A_541 : vector<1x16xf32> to vector<16xf32>
    %get3A_543 = arith.constant 39 : i32
    %get3A_544 = arith.index_cast %get3A_543 : i32 to index
    %get3A_545 = arith.constant 0 : index
    %get3A_546 = tpu.vector_load %arg8[%get3A_544, %get3A_545] {strides = array<i32>} : memref<96x16xf32, #tpu.memory_space<vmem>>, vector<1x16xf32>,
    %get3A_547 = vector.shape_cast %get3A_546 : vector<1x16xf32> to vector<16xf32>
    %mul3A_548 = arith.mulf %get3A_542, %get3A_547 : vector<16xf32>
    %get3A_549 = arith.constant 40 : i32
    %get3A_550 = arith.index_cast %get3A_549 : i32 to index
    %get3A_551 = arith.constant 0 : index
    %get3A_552 = tpu.vector_load %arg7[%get3A_550, %get3A_551] {strides = array<i32>} : memref<96x16xf32, #tpu.memory_space<vmem>>, vector<1x16xf32>,
    %get3A_553 = vector.shape_cast %get3A_552 : vector<1x16xf32> to vector<16xf32>
    %get3A_554 = arith.constant 40 : i32
    %get3A_555 = arith.index_cast %get3A_554 : i32 to index
    %get3A_556 = arith.constant 0 : index
    %get3A_557 = tpu.vector_load %arg8[%get3A_555, %get3A_556] {strides = array<i32>} : memref<96x16xf32, #tpu.memory_space<vmem>>, vector<1x16xf32>,
    %get3A_558 = vector.shape_cast %get3A_557 : vector<1x16xf32> to vector<16xf32>
    %mul3A_559 = arith.mulf %get3A_553, %get3A_558 : vector<16xf32>
    %add3A_560 = arith.addf %mul3A_548, %mul3A_559 : vector<16xf32>
    %get3A_561 = arith.constant 41 : i32
    %get3A_562 = arith.index_cast %get3A_561 : i32 to index
    %get3A_563 = arith.constant 0 : index
    %get3A_564 = tpu.vector_load %arg7[%get3A_562, %get3A_563] {strides = array<i32>} : memref<96x16xf32, #tpu.memory_space<vmem>>, vector<1x16xf32>,
    %get3A_565 = vector.shape_cast %get3A_564 : vector<1x16xf32> to vector<16xf32>
    %get3A_566 = arith.constant 41 : i32
    %get3A_567 = arith.index_cast %get3A_566 : i32 to index
    %get3A_568 = arith.constant 0 : index
    %get3A_569 = tpu.vector_load %arg8[%get3A_567, %get3A_568] {strides = array<i32>} : memref<96x16xf32, #tpu.memory_space<vmem>>, vector<1x16xf32>,
    %get3A_570 = vector.shape_cast %get3A_569 : vector<1x16xf32> to vector<16xf32>
    %mul3A_571 = arith.mulf %get3A_565, %get3A_570 : vector<16xf32>
    %add3A_572 = arith.addf %add3A_560, %mul3A_571 : vector<16xf32>
    %swap3A_573 = arith.constant 13 : i32
    %swap3A_574 = arith.index_cast %swap3A_573 : i32 to index
    %swap3A_575 = arith.constant 0 : index
    %swap3A_576 = tpu.vector_load %arg9[%swap3A_574, %swap3A_575] {strides = array<i32>} : memref<32x16xf32, #tpu.memory_space<vmem>>, vector<1x16xf32>,
    %swap3A_577 = vector.shape_cast %swap3A_576 : vector<1x16xf32> to vector<16xf32>
    %swap3A_578 = vector.shape_cast %add3A_572 : vector<16xf32> to vector<1x16xf32>
    tpu.vector_store %arg9[%swap3A_574, %swap3A_575], %swap3A_578 {strides = array<i32>} : memref<32x16xf32, #tpu.memory_space<vmem>>, vector<1x16xf32>,
    %get3A_579 = arith.constant 42 : i32
    %get3A_580 = arith.index_cast %get3A_579 : i32 to index
    %get3A_581 = arith.constant 0 : index
    %get3A_582 = tpu.vector_load %arg7[%get3A_580, %get3A_581] {strides = array<i32>} : memref<96x16xf32, #tpu.memory_space<vmem>>, vector<1x16xf32>,
    %get3A_583 = vector.shape_cast %get3A_582 : vector<1x16xf32> to vector<16xf32>
    %get3A_584 = arith.constant 42 : i32
    %get3A_585 = arith.index_cast %get3A_584 : i32 to index
    %get3A_586 = arith.constant 0 : index
    %get3A_587 = tpu.vector_load %arg8[%get3A_585, %get3A_586] {strides = array<i32>} : memref<96x16xf32, #tpu.memory_space<vmem>>, vector<1x16xf32>,
    %get3A_588 = vector.shape_cast %get3A_587 : vector<1x16xf32> to vector<16xf32>
    %mul3A_589 = arith.mulf %get3A_583, %get3A_588 : vector<16xf32>
    %get3A_590 = arith.constant 43 : i32
    %get3A_591 = arith.index_cast %get3A_590 : i32 to index
    %get3A_592 = arith.constant 0 : index
    %get3A_593 = tpu.vector_load %arg7[%get3A_591, %get3A_592] {strides = array<i32>} : memref<96x16xf32, #tpu.memory_space<vmem>>, vector<1x16xf32>,
    %get3A_594 = vector.shape_cast %get3A_593 : vector<1x16xf32> to vector<16xf32>
    %get3A_595 = arith.constant 43 : i32
    %get3A_596 = arith.index_cast %get3A_595 : i32 to index
    %get3A_597 = arith.constant 0 : index
    %get3A_598 = tpu.vector_load %arg8[%get3A_596, %get3A_597] {strides = array<i32>} : memref<96x16xf32, #tpu.memory_space<vmem>>, vector<1x16xf32>,
    %get3A_599 = vector.shape_cast %get3A_598 : vector<1x16xf32> to vector<16xf32>
    %mul3A_600 = arith.mulf %get3A_594, %get3A_599 : vector<16xf32>
    %add3A_601 = arith.addf %mul3A_589, %mul3A_600 : vector<16xf32>
    %get3A_602 = arith.constant 44 : i32
    %get3A_603 = arith.index_cast %get3A_602 : i32 to index
    %get3A_604 = arith.constant 0 : index
    %get3A_605 = tpu.vector_load %arg7[%get3A_603, %get3A_604] {strides = array<i32>} : memref<96x16xf32, #tpu.memory_space<vmem>>, vector<1x16xf32>,
    %get3A_606 = vector.shape_cast %get3A_605 : vector<1x16xf32> to vector<16xf32>
    %get3A_607 = arith.constant 44 : i32
    %get3A_608 = arith.index_cast %get3A_607 : i32 to index
    %get3A_609 = arith.constant 0 : index
    %get3A_610 = tpu.vector_load %arg8[%get3A_608, %get3A_609] {strides = array<i32>} : memref<96x16xf32, #tpu.memory_space<vmem>>, vector<1x16xf32>,
    %get3A_611 = vector.shape_cast %get3A_610 : vector<1x16xf32> to vector<16xf32>
    %mul3A_612 = arith.mulf %get3A_606, %get3A_611 : vector<16xf32>
    %add3A_613 = arith.addf %add3A_601, %mul3A_612 : vector<16xf32>
    %swap3A_614 = arith.constant 14 : i32
    %swap3A_615 = arith.index_cast %swap3A_614 : i32 to index
    %swap3A_616 = arith.constant 0 : index
    %swap3A_617 = tpu.vector_load %arg9[%swap3A_615, %swap3A_616] {strides = array<i32>} : memref<32x16xf32, #tpu.memory_space<vmem>>, vector<1x16xf32>,
    %swap3A_618 = vector.shape_cast %swap3A_617 : vector<1x16xf32> to vector<16xf32>
    %swap3A_619 = vector.shape_cast %add3A_613 : vector<16xf32> to vector<1x16xf32>
    tpu.vector_store %arg9[%swap3A_615, %swap3A_616], %swap3A_619 {strides = array<i32>} : memref<32x16xf32, #tpu.memory_space<vmem>>, vector<1x16xf32>,
    %get3A_620 = arith.constant 45 : i32
    %get3A_621 = arith.index_cast %get3A_620 : i32 to index
    %get3A_622 = arith.constant 0 : index
    %get3A_623 = tpu.vector_load %arg7[%get3A_621, %get3A_622] {strides = array<i32>} : memref<96x16xf32, #tpu.memory_space<vmem>>, vector<1x16xf32>,
    %get3A_624 = vector.shape_cast %get3A_623 : vector<1x16xf32> to vector<16xf32>
    %get3A_625 = arith.constant 45 : i32
    %get3A_626 = arith.index_cast %get3A_625 : i32 to index
    %get3A_627 = arith.constant 0 : index
    %get3A_628 = tpu.vector_load %arg8[%get3A_626, %get3A_627] {strides = array<i32>} : memref<96x16xf32, #tpu.memory_space<vmem>>, vector<1x16xf32>,
    %get3A_629 = vector.shape_cast %get3A_628 : vector<1x16xf32> to vector<16xf32>
    %mul3A_630 = arith.mulf %get3A_624, %get3A_629 : vector<16xf32>
    %get3A_631 = arith.constant 46 : i32
    %get3A_632 = arith.index_cast %get3A_631 : i32 to index
    %get3A_633 = arith.constant 0 : index
    %get3A_634 = tpu.vector_load %arg7[%get3A_632, %get3A_633] {strides = array<i32>} : memref<96x16xf32, #tpu.memory_space<vmem>>, vector<1x16xf32>,
    %get3A_635 = vector.shape_cast %get3A_634 : vector<1x16xf32> to vector<16xf32>
    %get3A_636 = arith.constant 46 : i32
    %get3A_637 = arith.index_cast %get3A_636 : i32 to index
    %get3A_638 = arith.constant 0 : index
    %get3A_639 = tpu.vector_load %arg8[%get3A_637, %get3A_638] {strides = array<i32>} : memref<96x16xf32, #tpu.memory_space<vmem>>, vector<1x16xf32>,
    %get3A_640 = vector.shape_cast %get3A_639 : vector<1x16xf32> to vector<16xf32>
    %mul3A_641 = arith.mulf %get3A_635, %get3A_640 : vector<16xf32>
    %add3A_642 = arith.addf %mul3A_630, %mul3A_641 : vector<16xf32>
    %get3A_643 = arith.constant 47 : i32
    %get3A_644 = arith.index_cast %get3A_643 : i32 to index
    %get3A_645 = arith.constant 0 : index
    %get3A_646 = tpu.vector_load %arg7[%get3A_644, %get3A_645] {strides = array<i32>} : memref<96x16xf32, #tpu.memory_space<vmem>>, vector<1x16xf32>,
    %get3A_647 = vector.shape_cast %get3A_646 : vector<1x16xf32> to vector<16xf32>
    %get3A_648 = arith.constant 47 : i32
    %get3A_649 = arith.index_cast %get3A_648 : i32 to index
    %get3A_650 = arith.constant 0 : index
    %get3A_651 = tpu.vector_load %arg8[%get3A_649, %get3A_650] {strides = array<i32>} : memref<96x16xf32, #tpu.memory_space<vmem>>, vector<1x16xf32>,
    %get3A_652 = vector.shape_cast %get3A_651 : vector<1x16xf32> to vector<16xf32>
    %mul3A_653 = arith.mulf %get3A_647, %get3A_652 : vector<16xf32>
    %add3A_654 = arith.addf %add3A_642, %mul3A_653 : vector<16xf32>
    %swap3A_655 = arith.constant 15 : i32
    %swap3A_656 = arith.index_cast %swap3A_655 : i32 to index
    %swap3A_657 = arith.constant 0 : index
    %swap3A_658 = tpu.vector_load %arg9[%swap3A_656, %swap3A_657] {strides = array<i32>} : memref<32x16xf32, #tpu.memory_space<vmem>>, vector<1x16xf32>,
    %swap3A_659 = vector.shape_cast %swap3A_658 : vector<1x16xf32> to vector<16xf32>
    %swap3A_660 = vector.shape_cast %add3A_654 : vector<16xf32> to vector<1x16xf32>
    tpu.vector_store %arg9[%swap3A_656, %swap3A_657], %swap3A_660 {strides = array<i32>} : memref<32x16xf32, #tpu.memory_space<vmem>>, vector<1x16xf32>,
    %get3A_661 = arith.constant 48 : i32
    %get3A_662 = arith.index_cast %get3A_661 : i32 to index
    %get3A_663 = arith.constant 0 : index
    %get3A_664 = tpu.vector_load %arg7[%get3A_662, %get3A_663] {strides = array<i32>} : memref<96x16xf32, #tpu.memory_space<vmem>>, vector<1x16xf32>,
    %get3A_665 = vector.shape_cast %get3A_664 : vector<1x16xf32> to vector<16xf32>
    %get3A_666 = arith.constant 48 : i32
    %get3A_667 = arith.index_cast %get3A_666 : i32 to index
    %get3A_668 = arith.constant 0 : index
    %get3A_669 = tpu.vector_load %arg8[%get3A_667, %get3A_668] {strides = array<i32>} : memref<96x16xf32, #tpu.memory_space<vmem>>, vector<1x16xf32>,
    %get3A_670 = vector.shape_cast %get3A_669 : vector<1x16xf32> to vector<16xf32>
    %mul3A_671 = arith.mulf %get3A_665, %get3A_670 : vector<16xf32>
    %get3A_672 = arith.constant 49 : i32
    %get3A_673 = arith.index_cast %get3A_672 : i32 to index
    %get3A_674 = arith.constant 0 : index
    %get3A_675 = tpu.vector_load %arg7[%get3A_673, %get3A_674] {strides = array<i32>} : memref<96x16xf32, #tpu.memory_space<vmem>>, vector<1x16xf32>,
    %get3A_676 = vector.shape_cast %get3A_675 : vector<1x16xf32> to vector<16xf32>
    %get3A_677 = arith.constant 49 : i32
    %get3A_678 = arith.index_cast %get3A_677 : i32 to index
    %get3A_679 = arith.constant 0 : index
    %get3A_680 = tpu.vector_load %arg8[%get3A_678, %get3A_679] {strides = array<i32>} : memref<96x16xf32, #tpu.memory_space<vmem>>, vector<1x16xf32>,
    %get3A_681 = vector.shape_cast %get3A_680 : vector<1x16xf32> to vector<16xf32>
    %mul3A_682 = arith.mulf %get3A_676, %get3A_681 : vector<16xf32>
    %add3A_683 = arith.addf %mul3A_671, %mul3A_682 : vector<16xf32>
    %get3A_684 = arith.constant 50 : i32
    %get3A_685 = arith.index_cast %get3A_684 : i32 to index
    %get3A_686 = arith.constant 0 : index
    %get3A_687 = tpu.vector_load %arg7[%get3A_685, %get3A_686] {strides = array<i32>} : memref<96x16xf32, #tpu.memory_space<vmem>>, vector<1x16xf32>,
    %get3A_688 = vector.shape_cast %get3A_687 : vector<1x16xf32> to vector<16xf32>
    %get3A_689 = arith.constant 50 : i32
    %get3A_690 = arith.index_cast %get3A_689 : i32 to index
    %get3A_691 = arith.constant 0 : index
    %get3A_692 = tpu.vector_load %arg8[%get3A_690, %get3A_691] {strides = array<i32>} : memref<96x16xf32, #tpu.memory_space<vmem>>, vector<1x16xf32>,
    %get3A_693 = vector.shape_cast %get3A_692 : vector<1x16xf32> to vector<16xf32>
    %mul3A_694 = arith.mulf %get3A_688, %get3A_693 : vector<16xf32>
    %add3A_695 = arith.addf %add3A_683, %mul3A_694 : vector<16xf32>
    %swap3A_696 = arith.constant 16 : i32
    %swap3A_697 = arith.index_cast %swap3A_696 : i32 to index
    %swap3A_698 = arith.constant 0 : index
    %swap3A_699 = tpu.vector_load %arg9[%swap3A_697, %swap3A_698] {strides = array<i32>} : memref<32x16xf32, #tpu.memory_space<vmem>>, vector<1x16xf32>,
    %swap3A_700 = vector.shape_cast %swap3A_699 : vector<1x16xf32> to vector<16xf32>
    %swap3A_701 = vector.shape_cast %add3A_695 : vector<16xf32> to vector<1x16xf32>
    tpu.vector_store %arg9[%swap3A_697, %swap3A_698], %swap3A_701 {strides = array<i32>} : memref<32x16xf32, #tpu.memory_space<vmem>>, vector<1x16xf32>,
    %get3A_702 = arith.constant 51 : i32
    %get3A_703 = arith.index_cast %get3A_702 : i32 to index
    %get3A_704 = arith.constant 0 : index
    %get3A_705 = tpu.vector_load %arg7[%get3A_703, %get3A_704] {strides = array<i32>} : memref<96x16xf32, #tpu.memory_space<vmem>>, vector<1x16xf32>,
    %get3A_706 = vector.shape_cast %get3A_705 : vector<1x16xf32> to vector<16xf32>
    %get3A_707 = arith.constant 51 : i32
    %get3A_708 = arith.index_cast %get3A_707 : i32 to index
    %get3A_709 = arith.constant 0 : index
    %get3A_710 = tpu.vector_load %arg8[%get3A_708, %get3A_709] {strides = array<i32>} : memref<96x16xf32, #tpu.memory_space<vmem>>, vector<1x16xf32>,
    %get3A_711 = vector.shape_cast %get3A_710 : vector<1x16xf32> to vector<16xf32>
    %mul3A_712 = arith.mulf %get3A_706, %get3A_711 : vector<16xf32>
    %get3A_713 = arith.constant 52 : i32
    %get3A_714 = arith.index_cast %get3A_713 : i32 to index
    %get3A_715 = arith.constant 0 : index
    %get3A_716 = tpu.vector_load %arg7[%get3A_714, %get3A_715] {strides = array<i32>} : memref<96x16xf32, #tpu.memory_space<vmem>>, vector<1x16xf32>,
    %get3A_717 = vector.shape_cast %get3A_716 : vector<1x16xf32> to vector<16xf32>
    %get3A_718 = arith.constant 52 : i32
    %get3A_719 = arith.index_cast %get3A_718 : i32 to index
    %get3A_720 = arith.constant 0 : index
    %get3A_721 = tpu.vector_load %arg8[%get3A_719, %get3A_720] {strides = array<i32>} : memref<96x16xf32, #tpu.memory_space<vmem>>, vector<1x16xf32>,
    %get3A_722 = vector.shape_cast %get3A_721 : vector<1x16xf32> to vector<16xf32>
    %mul3A_723 = arith.mulf %get3A_717, %get3A_722 : vector<16xf32>
    %add3A_724 = arith.addf %mul3A_712, %mul3A_723 : vector<16xf32>
    %get3A_725 = arith.constant 53 : i32
    %get3A_726 = arith.index_cast %get3A_725 : i32 to index
    %get3A_727 = arith.constant 0 : index
    %get3A_728 = tpu.vector_load %arg7[%get3A_726, %get3A_727] {strides = array<i32>} : memref<96x16xf32, #tpu.memory_space<vmem>>, vector<1x16xf32>,
    %get3A_729 = vector.shape_cast %get3A_728 : vector<1x16xf32> to vector<16xf32>
    %get3A_730 = arith.constant 53 : i32
    %get3A_731 = arith.index_cast %get3A_730 : i32 to index
    %get3A_732 = arith.constant 0 : index
    %get3A_733 = tpu.vector_load %arg8[%get3A_731, %get3A_732] {strides = array<i32>} : memref<96x16xf32, #tpu.memory_space<vmem>>, vector<1x16xf32>,
    %get3A_734 = vector.shape_cast %get3A_733 : vector<1x16xf32> to vector<16xf32>
    %mul3A_735 = arith.mulf %get3A_729, %get3A_734 : vector<16xf32>
    %add3A_736 = arith.addf %add3A_724, %mul3A_735 : vector<16xf32>
    %swap3A_737 = arith.constant 17 : i32
    %swap3A_738 = arith.index_cast %swap3A_737 : i32 to index
    %swap3A_739 = arith.constant 0 : index
    %swap3A_740 = tpu.vector_load %arg9[%swap3A_738, %swap3A_739] {strides = array<i32>} : memref<32x16xf32, #tpu.memory_space<vmem>>, vector<1x16xf32>,
    %swap3A_741 = vector.shape_cast %swap3A_740 : vector<1x16xf32> to vector<16xf32>
    %swap3A_742 = vector.shape_cast %add3A_736 : vector<16xf32> to vector<1x16xf32>
    tpu.vector_store %arg9[%swap3A_738, %swap3A_739], %swap3A_742 {strides = array<i32>} : memref<32x16xf32, #tpu.memory_space<vmem>>, vector<1x16xf32>,
    %get3A_743 = arith.constant 54 : i32
    %get3A_744 = arith.index_cast %get3A_743 : i32 to index
    %get3A_745 = arith.constant 0 : index
    %get3A_746 = tpu.vector_load %arg7[%get3A_744, %get3A_745] {strides = array<i32>} : memref<96x16xf32, #tpu.memory_space<vmem>>, vector<1x16xf32>,
    %get3A_747 = vector.shape_cast %get3A_746 : vector<1x16xf32> to vector<16xf32>
    %get3A_748 = arith.constant 54 : i32
    %get3A_749 = arith.index_cast %get3A_748 : i32 to index
    %get3A_750 = arith.constant 0 : index
    %get3A_751 = tpu.vector_load %arg8[%get3A_749, %get3A_750] {strides = array<i32>} : memref<96x16xf32, #tpu.memory_space<vmem>>, vector<1x16xf32>,
    %get3A_752 = vector.shape_cast %get3A_751 : vector<1x16xf32> to vector<16xf32>
    %mul3A_753 = arith.mulf %get3A_747, %get3A_752 : vector<16xf32>
    %get3A_754 = arith.constant 55 : i32
    %get3A_755 = arith.index_cast %get3A_754 : i32 to index
    %get3A_756 = arith.constant 0 : index
    %get3A_757 = tpu.vector_load %arg7[%get3A_755, %get3A_756] {strides = array<i32>} : memref<96x16xf32, #tpu.memory_space<vmem>>, vector<1x16xf32>,
    %get3A_758 = vector.shape_cast %get3A_757 : vector<1x16xf32> to vector<16xf32>
    %get3A_759 = arith.constant 55 : i32
    %get3A_760 = arith.index_cast %get3A_759 : i32 to index
    %get3A_761 = arith.constant 0 : index
    %get3A_762 = tpu.vector_load %arg8[%get3A_760, %get3A_761] {strides = array<i32>} : memref<96x16xf32, #tpu.memory_space<vmem>>, vector<1x16xf32>,
    %get3A_763 = vector.shape_cast %get3A_762 : vector<1x16xf32> to vector<16xf32>
    %mul3A_764 = arith.mulf %get3A_758, %get3A_763 : vector<16xf32>
    %add3A_765 = arith.addf %mul3A_753, %mul3A_764 : vector<16xf32>
    %get3A_766 = arith.constant 56 : i32
    %get3A_767 = arith.index_cast %get3A_766 : i32 to index
    %get3A_768 = arith.constant 0 : index
    %get3A_769 = tpu.vector_load %arg7[%get3A_767, %get3A_768] {strides = array<i32>} : memref<96x16xf32, #tpu.memory_space<vmem>>, vector<1x16xf32>,
    %get3A_770 = vector.shape_cast %get3A_769 : vector<1x16xf32> to vector<16xf32>
    %get3A_771 = arith.constant 56 : i32
    %get3A_772 = arith.index_cast %get3A_771 : i32 to index
    %get3A_773 = arith.constant 0 : index
    %get3A_774 = tpu.vector_load %arg8[%get3A_772, %get3A_773] {strides = array<i32>} : memref<96x16xf32, #tpu.memory_space<vmem>>, vector<1x16xf32>,
    %get3A_775 = vector.shape_cast %get3A_774 : vector<1x16xf32> to vector<16xf32>
    %mul3A_776 = arith.mulf %get3A_770, %get3A_775 : vector<16xf32>
    %add3A_777 = arith.addf %add3A_765, %mul3A_776 : vector<16xf32>
    %swap3A_778 = arith.constant 18 : i32
    %swap3A_779 = arith.index_cast %swap3A_778 : i32 to index
    %swap3A_780 = arith.constant 0 : index
    %swap3A_781 = tpu.vector_load %arg9[%swap3A_779, %swap3A_780] {strides = array<i32>} : memref<32x16xf32, #tpu.memory_space<vmem>>, vector<1x16xf32>,
    %swap3A_782 = vector.shape_cast %swap3A_781 : vector<1x16xf32> to vector<16xf32>
    %swap3A_783 = vector.shape_cast %add3A_777 : vector<16xf32> to vector<1x16xf32>
    tpu.vector_store %arg9[%swap3A_779, %swap3A_780], %swap3A_783 {strides = array<i32>} : memref<32x16xf32, #tpu.memory_space<vmem>>, vector<1x16xf32>,
    %get3A_784 = arith.constant 57 : i32
    %get3A_785 = arith.index_cast %get3A_784 : i32 to index
    %get3A_786 = arith.constant 0 : index
    %get3A_787 = tpu.vector_load %arg7[%get3A_785, %get3A_786] {strides = array<i32>} : memref<96x16xf32, #tpu.memory_space<vmem>>, vector<1x16xf32>,
    %get3A_788 = vector.shape_cast %get3A_787 : vector<1x16xf32> to vector<16xf32>
    %get3A_789 = arith.constant 57 : i32
    %get3A_790 = arith.index_cast %get3A_789 : i32 to index
    %get3A_791 = arith.constant 0 : index
    %get3A_792 = tpu.vector_load %arg8[%get3A_790, %get3A_791] {strides = array<i32>} : memref<96x16xf32, #tpu.memory_space<vmem>>, vector<1x16xf32>,
    %get3A_793 = vector.shape_cast %get3A_792 : vector<1x16xf32> to vector<16xf32>
    %mul3A_794 = arith.mulf %get3A_788, %get3A_793 : vector<16xf32>
    %get3A_795 = arith.constant 58 : i32
    %get3A_796 = arith.index_cast %get3A_795 : i32 to index
    %get3A_797 = arith.constant 0 : index
    %get3A_798 = tpu.vector_load %arg7[%get3A_796, %get3A_797] {strides = array<i32>} : memref<96x16xf32, #tpu.memory_space<vmem>>, vector<1x16xf32>,
    %get3A_799 = vector.shape_cast %get3A_798 : vector<1x16xf32> to vector<16xf32>
    %get3A_800 = arith.constant 58 : i32
    %get3A_801 = arith.index_cast %get3A_800 : i32 to index
    %get3A_802 = arith.constant 0 : index
    %get3A_803 = tpu.vector_load %arg8[%get3A_801, %get3A_802] {strides = array<i32>} : memref<96x16xf32, #tpu.memory_space<vmem>>, vector<1x16xf32>,
    %get3A_804 = vector.shape_cast %get3A_803 : vector<1x16xf32> to vector<16xf32>
    %mul3A_805 = arith.mulf %get3A_799, %get3A_804 : vector<16xf32>
    %add3A_806 = arith.addf %mul3A_794, %mul3A_805 : vector<16xf32>
    %get3A_807 = arith.constant 59 : i32
    %get3A_808 = arith.index_cast %get3A_807 : i32 to index
    %get3A_809 = arith.constant 0 : index
    %get3A_810 = tpu.vector_load %arg7[%get3A_808, %get3A_809] {strides = array<i32>} : memref<96x16xf32, #tpu.memory_space<vmem>>, vector<1x16xf32>,
    %get3A_811 = vector.shape_cast %get3A_810 : vector<1x16xf32> to vector<16xf32>
    %get3A_812 = arith.constant 59 : i32
    %get3A_813 = arith.index_cast %get3A_812 : i32 to index
    %get3A_814 = arith.constant 0 : index
    %get3A_815 = tpu.vector_load %arg8[%get3A_813, %get3A_814] {strides = array<i32>} : memref<96x16xf32, #tpu.memory_space<vmem>>, vector<1x16xf32>,
    %get3A_816 = vector.shape_cast %get3A_815 : vector<1x16xf32> to vector<16xf32>
    %mul3A_817 = arith.mulf %get3A_811, %get3A_816 : vector<16xf32>
    %add3A_818 = arith.addf %add3A_806, %mul3A_817 : vector<16xf32>
    %swap3A_819 = arith.constant 19 : i32
    %swap3A_820 = arith.index_cast %swap3A_819 : i32 to index
    %swap3A_821 = arith.constant 0 : index
    %swap3A_822 = tpu.vector_load %arg9[%swap3A_820, %swap3A_821] {strides = array<i32>} : memref<32x16xf32, #tpu.memory_space<vmem>>, vector<1x16xf32>,
    %swap3A_823 = vector.shape_cast %swap3A_822 : vector<1x16xf32> to vector<16xf32>
    %swap3A_824 = vector.shape_cast %add3A_818 : vector<16xf32> to vector<1x16xf32>
    tpu.vector_store %arg9[%swap3A_820, %swap3A_821], %swap3A_824 {strides = array<i32>} : memref<32x16xf32, #tpu.memory_space<vmem>>, vector<1x16xf32>,
    %get3A_825 = arith.constant 60 : i32
    %get3A_826 = arith.index_cast %get3A_825 : i32 to index
    %get3A_827 = arith.constant 0 : index
    %get3A_828 = tpu.vector_load %arg7[%get3A_826, %get3A_827] {strides = array<i32>} : memref<96x16xf32, #tpu.memory_space<vmem>>, vector<1x16xf32>,
    %get3A_829 = vector.shape_cast %get3A_828 : vector<1x16xf32> to vector<16xf32>
    %get3A_830 = arith.constant 60 : i32
    %get3A_831 = arith.index_cast %get3A_830 : i32 to index
    %get3A_832 = arith.constant 0 : index
    %get3A_833 = tpu.vector_load %arg8[%get3A_831, %get3A_832] {strides = array<i32>} : memref<96x16xf32, #tpu.memory_space<vmem>>, vector<1x16xf32>,
    %get3A_834 = vector.shape_cast %get3A_833 : vector<1x16xf32> to vector<16xf32>
    %mul3A_835 = arith.mulf %get3A_829, %get3A_834 : vector<16xf32>
    %get3A_836 = arith.constant 61 : i32
    %get3A_837 = arith.index_cast %get3A_836 : i32 to index
    %get3A_838 = arith.constant 0 : index
    %get3A_839 = tpu.vector_load %arg7[%get3A_837, %get3A_838] {strides = array<i32>} : memref<96x16xf32, #tpu.memory_space<vmem>>, vector<1x16xf32>,
    %get3A_840 = vector.shape_cast %get3A_839 : vector<1x16xf32> to vector<16xf32>
    %get3A_841 = arith.constant 61 : i32
    %get3A_842 = arith.index_cast %get3A_841 : i32 to index
    %get3A_843 = arith.constant 0 : index
    %get3A_844 = tpu.vector_load %arg8[%get3A_842, %get3A_843] {strides = array<i32>} : memref<96x16xf32, #tpu.memory_space<vmem>>, vector<1x16xf32>,
    %get3A_845 = vector.shape_cast %get3A_844 : vector<1x16xf32> to vector<16xf32>
    %mul3A_846 = arith.mulf %get3A_840, %get3A_845 : vector<16xf32>
    %add3A_847 = arith.addf %mul3A_835, %mul3A_846 : vector<16xf32>
    %get3A_848 = arith.constant 62 : i32
    %get3A_849 = arith.index_cast %get3A_848 : i32 to index
    %get3A_850 = arith.constant 0 : index
    %get3A_851 = tpu.vector_load %arg7[%get3A_849, %get3A_850] {strides = array<i32>} : memref<96x16xf32, #tpu.memory_space<vmem>>, vector<1x16xf32>,
    %get3A_852 = vector.shape_cast %get3A_851 : vector<1x16xf32> to vector<16xf32>
    %get3A_853 = arith.constant 62 : i32
    %get3A_854 = arith.index_cast %get3A_853 : i32 to index
    %get3A_855 = arith.constant 0 : index
    %get3A_856 = tpu.vector_load %arg8[%get3A_854, %get3A_855] {strides = array<i32>} : memref<96x16xf32, #tpu.memory_space<vmem>>, vector<1x16xf32>,
    %get3A_857 = vector.shape_cast %get3A_856 : vector<1x16xf32> to vector<16xf32>
    %mul3A_858 = arith.mulf %get3A_852, %get3A_857 : vector<16xf32>
    %add3A_859 = arith.addf %add3A_847, %mul3A_858 : vector<16xf32>
    %swap3A_860 = arith.constant 20 : i32
    %swap3A_861 = arith.index_cast %swap3A_860 : i32 to index
    %swap3A_862 = arith.constant 0 : index
    %swap3A_863 = tpu.vector_load %arg9[%swap3A_861, %swap3A_862] {strides = array<i32>} : memref<32x16xf32, #tpu.memory_space<vmem>>, vector<1x16xf32>,
    %swap3A_864 = vector.shape_cast %swap3A_863 : vector<1x16xf32> to vector<16xf32>
    %swap3A_865 = vector.shape_cast %add3A_859 : vector<16xf32> to vector<1x16xf32>
    tpu.vector_store %arg9[%swap3A_861, %swap3A_862], %swap3A_865 {strides = array<i32>} : memref<32x16xf32, #tpu.memory_space<vmem>>, vector<1x16xf32>,
    %get3A_866 = arith.constant 63 : i32
    %get3A_867 = arith.index_cast %get3A_866 : i32 to index
    %get3A_868 = arith.constant 0 : index
    %get3A_869 = tpu.vector_load %arg7[%get3A_867, %get3A_868] {strides = array<i32>} : memref<96x16xf32, #tpu.memory_space<vmem>>, vector<1x16xf32>,
    %get3A_870 = vector.shape_cast %get3A_869 : vector<1x16xf32> to vector<16xf32>
    %get3A_871 = arith.constant 63 : i32
    %get3A_872 = arith.index_cast %get3A_871 : i32 to index
    %get3A_873 = arith.constant 0 : index
    %get3A_874 = tpu.vector_load %arg8[%get3A_872, %get3A_873] {strides = array<i32>} : memref<96x16xf32, #tpu.memory_space<vmem>>, vector<1x16xf32>,
    %get3A_875 = vector.shape_cast %get3A_874 : vector<1x16xf32> to vector<16xf32>
    %mul3A_876 = arith.mulf %get3A_870, %get3A_875 : vector<16xf32>
    %get3A_877 = arith.constant 64 : i32
    %get3A_878 = arith.index_cast %get3A_877 : i32 to index
    %get3A_879 = arith.constant 0 : index
    %get3A_880 = tpu.vector_load %arg7[%get3A_878, %get3A_879] {strides = array<i32>} : memref<96x16xf32, #tpu.memory_space<vmem>>, vector<1x16xf32>,
    %get3A_881 = vector.shape_cast %get3A_880 : vector<1x16xf32> to vector<16xf32>
    %get3A_882 = arith.constant 64 : i32
    %get3A_883 = arith.index_cast %get3A_882 : i32 to index
    %get3A_884 = arith.constant 0 : index
    %get3A_885 = tpu.vector_load %arg8[%get3A_883, %get3A_884] {strides = array<i32>} : memref<96x16xf32, #tpu.memory_space<vmem>>, vector<1x16xf32>,
    %get3A_886 = vector.shape_cast %get3A_885 : vector<1x16xf32> to vector<16xf32>
    %mul3A_887 = arith.mulf %get3A_881, %get3A_886 : vector<16xf32>
    %add3A_888 = arith.addf %mul3A_876, %mul3A_887 : vector<16xf32>
    %get3A_889 = arith.constant 65 : i32
    %get3A_890 = arith.index_cast %get3A_889 : i32 to index
    %get3A_891 = arith.constant 0 : index
    %get3A_892 = tpu.vector_load %arg7[%get3A_890, %get3A_891] {strides = array<i32>} : memref<96x16xf32, #tpu.memory_space<vmem>>, vector<1x16xf32>,
    %get3A_893 = vector.shape_cast %get3A_892 : vector<1x16xf32> to vector<16xf32>
    %get3A_894 = arith.constant 65 : i32
    %get3A_895 = arith.index_cast %get3A_894 : i32 to index
    %get3A_896 = arith.constant 0 : index
    %get3A_897 = tpu.vector_load %arg8[%get3A_895, %get3A_896] {strides = array<i32>} : memref<96x16xf32, #tpu.memory_space<vmem>>, vector<1x16xf32>,
    %get3A_898 = vector.shape_cast %get3A_897 : vector<1x16xf32> to vector<16xf32>
    %mul3A_899 = arith.mulf %get3A_893, %get3A_898 : vector<16xf32>
    %add3A_900 = arith.addf %add3A_888, %mul3A_899 : vector<16xf32>
    %swap3A_901 = arith.constant 21 : i32
    %swap3A_902 = arith.index_cast %swap3A_901 : i32 to index
    %swap3A_903 = arith.constant 0 : index
    %swap3A_904 = tpu.vector_load %arg9[%swap3A_902, %swap3A_903] {strides = array<i32>} : memref<32x16xf32, #tpu.memory_space<vmem>>, vector<1x16xf32>,
    %swap3A_905 = vector.shape_cast %swap3A_904 : vector<1x16xf32> to vector<16xf32>
    %swap3A_906 = vector.shape_cast %add3A_900 : vector<16xf32> to vector<1x16xf32>
    tpu.vector_store %arg9[%swap3A_902, %swap3A_903], %swap3A_906 {strides = array<i32>} : memref<32x16xf32, #tpu.memory_space<vmem>>, vector<1x16xf32>,
    %get3A_907 = arith.constant 66 : i32
    %get3A_908 = arith.index_cast %get3A_907 : i32 to index
    %get3A_909 = arith.constant 0 : index
    %get3A_910 = tpu.vector_load %arg7[%get3A_908, %get3A_909] {strides = array<i32>} : memref<96x16xf32, #tpu.memory_space<vmem>>, vector<1x16xf32>,
    %get3A_911 = vector.shape_cast %get3A_910 : vector<1x16xf32> to vector<16xf32>
    %get3A_912 = arith.constant 66 : i32
    %get3A_913 = arith.index_cast %get3A_912 : i32 to index
    %get3A_914 = arith.constant 0 : index
    %get3A_915 = tpu.vector_load %arg8[%get3A_913, %get3A_914] {strides = array<i32>} : memref<96x16xf32, #tpu.memory_space<vmem>>, vector<1x16xf32>,
    %get3A_916 = vector.shape_cast %get3A_915 : vector<1x16xf32> to vector<16xf32>
    %mul3A_917 = arith.mulf %get3A_911, %get3A_916 : vector<16xf32>
    %get3A_918 = arith.constant 67 : i32
    %get3A_919 = arith.index_cast %get3A_918 : i32 to index
    %get3A_920 = arith.constant 0 : index
    %get3A_921 = tpu.vector_load %arg7[%get3A_919, %get3A_920] {strides = array<i32>} : memref<96x16xf32, #tpu.memory_space<vmem>>, vector<1x16xf32>,
    %get3A_922 = vector.shape_cast %get3A_921 : vector<1x16xf32> to vector<16xf32>
    %get3A_923 = arith.constant 67 : i32
    %get3A_924 = arith.index_cast %get3A_923 : i32 to index
    %get3A_925 = arith.constant 0 : index
    %get3A_926 = tpu.vector_load %arg8[%get3A_924, %get3A_925] {strides = array<i32>} : memref<96x16xf32, #tpu.memory_space<vmem>>, vector<1x16xf32>,
    %get3A_927 = vector.shape_cast %get3A_926 : vector<1x16xf32> to vector<16xf32>
    %mul3A_928 = arith.mulf %get3A_922, %get3A_927 : vector<16xf32>
    %add3A_929 = arith.addf %mul3A_917, %mul3A_928 : vector<16xf32>
    %get3A_930 = arith.constant 68 : i32
    %get3A_931 = arith.index_cast %get3A_930 : i32 to index
    %get3A_932 = arith.constant 0 : index
    %get3A_933 = tpu.vector_load %arg7[%get3A_931, %get3A_932] {strides = array<i32>} : memref<96x16xf32, #tpu.memory_space<vmem>>, vector<1x16xf32>,
    %get3A_934 = vector.shape_cast %get3A_933 : vector<1x16xf32> to vector<16xf32>
    %get3A_935 = arith.constant 68 : i32
    %get3A_936 = arith.index_cast %get3A_935 : i32 to index
    %get3A_937 = arith.constant 0 : index
    %get3A_938 = tpu.vector_load %arg8[%get3A_936, %get3A_937] {strides = array<i32>} : memref<96x16xf32, #tpu.memory_space<vmem>>, vector<1x16xf32>,
    %get3A_939 = vector.shape_cast %get3A_938 : vector<1x16xf32> to vector<16xf32>
    %mul3A_940 = arith.mulf %get3A_934, %get3A_939 : vector<16xf32>
    %add3A_941 = arith.addf %add3A_929, %mul3A_940 : vector<16xf32>
    %swap3A_942 = arith.constant 22 : i32
    %swap3A_943 = arith.index_cast %swap3A_942 : i32 to index
    %swap3A_944 = arith.constant 0 : index
    %swap3A_945 = tpu.vector_load %arg9[%swap3A_943, %swap3A_944] {strides = array<i32>} : memref<32x16xf32, #tpu.memory_space<vmem>>, vector<1x16xf32>,
    %swap3A_946 = vector.shape_cast %swap3A_945 : vector<1x16xf32> to vector<16xf32>
    %swap3A_947 = vector.shape_cast %add3A_941 : vector<16xf32> to vector<1x16xf32>
    tpu.vector_store %arg9[%swap3A_943, %swap3A_944], %swap3A_947 {strides = array<i32>} : memref<32x16xf32, #tpu.memory_space<vmem>>, vector<1x16xf32>,
    %get3A_948 = arith.constant 69 : i32
    %get3A_949 = arith.index_cast %get3A_948 : i32 to index
    %get3A_950 = arith.constant 0 : index
    %get3A_951 = tpu.vector_load %arg7[%get3A_949, %get3A_950] {strides = array<i32>} : memref<96x16xf32, #tpu.memory_space<vmem>>, vector<1x16xf32>,
    %get3A_952 = vector.shape_cast %get3A_951 : vector<1x16xf32> to vector<16xf32>
    %get3A_953 = arith.constant 69 : i32
    %get3A_954 = arith.index_cast %get3A_953 : i32 to index
    %get3A_955 = arith.constant 0 : index
    %get3A_956 = tpu.vector_load %arg8[%get3A_954, %get3A_955] {strides = array<i32>} : memref<96x16xf32, #tpu.memory_space<vmem>>, vector<1x16xf32>,
    %get3A_957 = vector.shape_cast %get3A_956 : vector<1x16xf32> to vector<16xf32>
    %mul3A_958 = arith.mulf %get3A_952, %get3A_957 : vector<16xf32>
    %get3A_959 = arith.constant 70 : i32
    %get3A_960 = arith.index_cast %get3A_959 : i32 to index
    %get3A_961 = arith.constant 0 : index
    %get3A_962 = tpu.vector_load %arg7[%get3A_960, %get3A_961] {strides = array<i32>} : memref<96x16xf32, #tpu.memory_space<vmem>>, vector<1x16xf32>,
    %get3A_963 = vector.shape_cast %get3A_962 : vector<1x16xf32> to vector<16xf32>
    %get3A_964 = arith.constant 70 : i32
    %get3A_965 = arith.index_cast %get3A_964 : i32 to index
    %get3A_966 = arith.constant 0 : index
    %get3A_967 = tpu.vector_load %arg8[%get3A_965, %get3A_966] {strides = array<i32>} : memref<96x16xf32, #tpu.memory_space<vmem>>, vector<1x16xf32>,
    %get3A_968 = vector.shape_cast %get3A_967 : vector<1x16xf32> to vector<16xf32>
    %mul3A_969 = arith.mulf %get3A_963, %get3A_968 : vector<16xf32>
    %add3A_970 = arith.addf %mul3A_958, %mul3A_969 : vector<16xf32>
    %get3A_971 = arith.constant 71 : i32
    %get3A_972 = arith.index_cast %get3A_971 : i32 to index
    %get3A_973 = arith.constant 0 : index
    %get3A_974 = tpu.vector_load %arg7[%get3A_972, %get3A_973] {strides = array<i32>} : memref<96x16xf32, #tpu.memory_space<vmem>>, vector<1x16xf32>,
    %get3A_975 = vector.shape_cast %get3A_974 : vector<1x16xf32> to vector<16xf32>
    %get3A_976 = arith.constant 71 : i32
    %get3A_977 = arith.index_cast %get3A_976 : i32 to index
    %get3A_978 = arith.constant 0 : index
    %get3A_979 = tpu.vector_load %arg8[%get3A_977, %get3A_978] {strides = array<i32>} : memref<96x16xf32, #tpu.memory_space<vmem>>, vector<1x16xf32>,
    %get3A_980 = vector.shape_cast %get3A_979 : vector<1x16xf32> to vector<16xf32>
    %mul3A_981 = arith.mulf %get3A_975, %get3A_980 : vector<16xf32>
    %add3A_982 = arith.addf %add3A_970, %mul3A_981 : vector<16xf32>
    %swap3A_983 = arith.constant 23 : i32
    %swap3A_984 = arith.index_cast %swap3A_983 : i32 to index
    %swap3A_985 = arith.constant 0 : index
    %swap3A_986 = tpu.vector_load %arg9[%swap3A_984, %swap3A_985] {strides = array<i32>} : memref<32x16xf32, #tpu.memory_space<vmem>>, vector<1x16xf32>,
    %swap3A_987 = vector.shape_cast %swap3A_986 : vector<1x16xf32> to vector<16xf32>
    %swap3A_988 = vector.shape_cast %add3A_982 : vector<16xf32> to vector<1x16xf32>
    tpu.vector_store %arg9[%swap3A_984, %swap3A_985], %swap3A_988 {strides = array<i32>} : memref<32x16xf32, #tpu.memory_space<vmem>>, vector<1x16xf32>,
    %get3A_989 = arith.constant 72 : i32
    %get3A_990 = arith.index_cast %get3A_989 : i32 to index
    %get3A_991 = arith.constant 0 : index
    %get3A_992 = tpu.vector_load %arg7[%get3A_990, %get3A_991] {strides = array<i32>} : memref<96x16xf32, #tpu.memory_space<vmem>>, vector<1x16xf32>,
    %get3A_993 = vector.shape_cast %get3A_992 : vector<1x16xf32> to vector<16xf32>
    %get3A_994 = arith.constant 72 : i32
    %get3A_995 = arith.index_cast %get3A_994 : i32 to index
    %get3A_996 = arith.constant 0 : index
    %get3A_997 = tpu.vector_load %arg8[%get3A_995, %get3A_996] {strides = array<i32>} : memref<96x16xf32, #tpu.memory_space<vmem>>, vector<1x16xf32>,
    %get3A_998 = vector.shape_cast %get3A_997 : vector<1x16xf32> to vector<16xf32>
    %mul3A_999 = arith.mulf %get3A_993, %get3A_998 : vector<16xf32>
    %get3A_1000 = arith.constant 73 : i32
    %get3A_1001 = arith.index_cast %get3A_1000 : i32 to index
    %get3A_1002 = arith.constant 0 : index
    %get3A_1003 = tpu.vector_load %arg7[%get3A_1001, %get3A_1002] {strides = array<i32>} : memref<96x16xf32, #tpu.memory_space<vmem>>, vector<1x16xf32>,
    %get3A_1004 = vector.shape_cast %get3A_1003 : vector<1x16xf32> to vector<16xf32>
    %get3A_1005 = arith.constant 73 : i32
    %get3A_1006 = arith.index_cast %get3A_1005 : i32 to index
    %get3A_1007 = arith.constant 0 : index
    %get3A_1008 = tpu.vector_load %arg8[%get3A_1006, %get3A_1007] {strides = array<i32>} : memref<96x16xf32, #tpu.memory_space<vmem>>, vector<1x16xf32>,
    %get3A_1009 = vector.shape_cast %get3A_1008 : vector<1x16xf32> to vector<16xf32>
    %mul3A_1010 = arith.mulf %get3A_1004, %get3A_1009 : vector<16xf32>
    %add3A_1011 = arith.addf %mul3A_999, %mul3A_1010 : vector<16xf32>
    %get3A_1012 = arith.constant 74 : i32
    %get3A_1013 = arith.index_cast %get3A_1012 : i32 to index
    %get3A_1014 = arith.constant 0 : index
    %get3A_1015 = tpu.vector_load %arg7[%get3A_1013, %get3A_1014] {strides = array<i32>} : memref<96x16xf32, #tpu.memory_space<vmem>>, vector<1x16xf32>,
    %get3A_1016 = vector.shape_cast %get3A_1015 : vector<1x16xf32> to vector<16xf32>
    %get3A_1017 = arith.constant 74 : i32
    %get3A_1018 = arith.index_cast %get3A_1017 : i32 to index
    %get3A_1019 = arith.constant 0 : index
    %get3A_1020 = tpu.vector_load %arg8[%get3A_1018, %get3A_1019] {strides = array<i32>} : memref<96x16xf32, #tpu.memory_space<vmem>>, vector<1x16xf32>,
    %get3A_1021 = vector.shape_cast %get3A_1020 : vector<1x16xf32> to vector<16xf32>
    %mul3A_1022 = arith.mulf %get3A_1016, %get3A_1021 : vector<16xf32>
    %add3A_1023 = arith.addf %add3A_1011, %mul3A_1022 : vector<16xf32>
    %swap3A_1024 = arith.constant 24 : i32
    %swap3A_1025 = arith.index_cast %swap3A_1024 : i32 to index
    %swap3A_1026 = arith.constant 0 : index
    %swap3A_1027 = tpu.vector_load %arg9[%swap3A_1025, %swap3A_1026] {strides = array<i32>} : memref<32x16xf32, #tpu.memory_space<vmem>>, vector<1x16xf32>,
    %swap3A_1028 = vector.shape_cast %swap3A_1027 : vector<1x16xf32> to vector<16xf32>
    %swap3A_1029 = vector.shape_cast %add3A_1023 : vector<16xf32> to vector<1x16xf32>
    tpu.vector_store %arg9[%swap3A_1025, %swap3A_1026], %swap3A_1029 {strides = array<i32>} : memref<32x16xf32, #tpu.memory_space<vmem>>, vector<1x16xf32>,
    %get3A_1030 = arith.constant 75 : i32
    %get3A_1031 = arith.index_cast %get3A_1030 : i32 to index
    %get3A_1032 = arith.constant 0 : index
    %get3A_1033 = tpu.vector_load %arg7[%get3A_1031, %get3A_1032] {strides = array<i32>} : memref<96x16xf32, #tpu.memory_space<vmem>>, vector<1x16xf32>,
    %get3A_1034 = vector.shape_cast %get3A_1033 : vector<1x16xf32> to vector<16xf32>
    %get3A_1035 = arith.constant 75 : i32
    %get3A_1036 = arith.index_cast %get3A_1035 : i32 to index
    %get3A_1037 = arith.constant 0 : index
    %get3A_1038 = tpu.vector_load %arg8[%get3A_1036, %get3A_1037] {strides = array<i32>} : memref<96x16xf32, #tpu.memory_space<vmem>>, vector<1x16xf32>,
    %get3A_1039 = vector.shape_cast %get3A_1038 : vector<1x16xf32> to vector<16xf32>
    %mul3A_1040 = arith.mulf %get3A_1034, %get3A_1039 : vector<16xf32>
    %get3A_1041 = arith.constant 76 : i32
    %get3A_1042 = arith.index_cast %get3A_1041 : i32 to index
    %get3A_1043 = arith.constant 0 : index
    %get3A_1044 = tpu.vector_load %arg7[%get3A_1042, %get3A_1043] {strides = array<i32>} : memref<96x16xf32, #tpu.memory_space<vmem>>, vector<1x16xf32>,
    %get3A_1045 = vector.shape_cast %get3A_1044 : vector<1x16xf32> to vector<16xf32>
    %get3A_1046 = arith.constant 76 : i32
    %get3A_1047 = arith.index_cast %get3A_1046 : i32 to index
    %get3A_1048 = arith.constant 0 : index
    %get3A_1049 = tpu.vector_load %arg8[%get3A_1047, %get3A_1048] {strides = array<i32>} : memref<96x16xf32, #tpu.memory_space<vmem>>, vector<1x16xf32>,
    %get3A_1050 = vector.shape_cast %get3A_1049 : vector<1x16xf32> to vector<16xf32>
    %mul3A_1051 = arith.mulf %get3A_1045, %get3A_1050 : vector<16xf32>
    %add3A_1052 = arith.addf %mul3A_1040, %mul3A_1051 : vector<16xf32>
    %get3A_1053 = arith.constant 77 : i32
    %get3A_1054 = arith.index_cast %get3A_1053 : i32 to index
    %get3A_1055 = arith.constant 0 : index
    %get3A_1056 = tpu.vector_load %arg7[%get3A_1054, %get3A_1055] {strides = array<i32>} : memref<96x16xf32, #tpu.memory_space<vmem>>, vector<1x16xf32>,
    %get3A_1057 = vector.shape_cast %get3A_1056 : vector<1x16xf32> to vector<16xf32>
    %get3A_1058 = arith.constant 77 : i32
    %get3A_1059 = arith.index_cast %get3A_1058 : i32 to index
    %get3A_1060 = arith.constant 0 : index
    %get3A_1061 = tpu.vector_load %arg8[%get3A_1059, %get3A_1060] {strides = array<i32>} : memref<96x16xf32, #tpu.memory_space<vmem>>, vector<1x16xf32>,
    %get3A_1062 = vector.shape_cast %get3A_1061 : vector<1x16xf32> to vector<16xf32>
    %mul3A_1063 = arith.mulf %get3A_1057, %get3A_1062 : vector<16xf32>
    %add3A_1064 = arith.addf %add3A_1052, %mul3A_1063 : vector<16xf32>
    %swap3A_1065 = arith.constant 25 : i32
    %swap3A_1066 = arith.index_cast %swap3A_1065 : i32 to index
    %swap3A_1067 = arith.constant 0 : index
    %swap3A_1068 = tpu.vector_load %arg9[%swap3A_1066, %swap3A_1067] {strides = array<i32>} : memref<32x16xf32, #tpu.memory_space<vmem>>, vector<1x16xf32>,
    %swap3A_1069 = vector.shape_cast %swap3A_1068 : vector<1x16xf32> to vector<16xf32>
    %swap3A_1070 = vector.shape_cast %add3A_1064 : vector<16xf32> to vector<1x16xf32>
    tpu.vector_store %arg9[%swap3A_1066, %swap3A_1067], %swap3A_1070 {strides = array<i32>} : memref<32x16xf32, #tpu.memory_space<vmem>>, vector<1x16xf32>,
    %get3A_1071 = arith.constant 78 : i32
    %get3A_1072 = arith.index_cast %get3A_1071 : i32 to index
    %get3A_1073 = arith.constant 0 : index
    %get3A_1074 = tpu.vector_load %arg7[%get3A_1072, %get3A_1073] {strides = array<i32>} : memref<96x16xf32, #tpu.memory_space<vmem>>, vector<1x16xf32>,
    %get3A_1075 = vector.shape_cast %get3A_1074 : vector<1x16xf32> to vector<16xf32>
    %get3A_1076 = arith.constant 78 : i32
    %get3A_1077 = arith.index_cast %get3A_1076 : i32 to index
    %get3A_1078 = arith.constant 0 : index
    %get3A_1079 = tpu.vector_load %arg8[%get3A_1077, %get3A_1078] {strides = array<i32>} : memref<96x16xf32, #tpu.memory_space<vmem>>, vector<1x16xf32>,
    %get3A_1080 = vector.shape_cast %get3A_1079 : vector<1x16xf32> to vector<16xf32>
    %mul3A_1081 = arith.mulf %get3A_1075, %get3A_1080 : vector<16xf32>
    %get3A_1082 = arith.constant 79 : i32
    %get3A_1083 = arith.index_cast %get3A_1082 : i32 to index
    %get3A_1084 = arith.constant 0 : index
    %get3A_1085 = tpu.vector_load %arg7[%get3A_1083, %get3A_1084] {strides = array<i32>} : memref<96x16xf32, #tpu.memory_space<vmem>>, vector<1x16xf32>,
    %get3A_1086 = vector.shape_cast %get3A_1085 : vector<1x16xf32> to vector<16xf32>
    %get3A_1087 = arith.constant 79 : i32
    %get3A_1088 = arith.index_cast %get3A_1087 : i32 to index
    %get3A_1089 = arith.constant 0 : index
    %get3A_1090 = tpu.vector_load %arg8[%get3A_1088, %get3A_1089] {strides = array<i32>} : memref<96x16xf32, #tpu.memory_space<vmem>>, vector<1x16xf32>,
    %get3A_1091 = vector.shape_cast %get3A_1090 : vector<1x16xf32> to vector<16xf32>
    %mul3A_1092 = arith.mulf %get3A_1086, %get3A_1091 : vector<16xf32>
    %add3A_1093 = arith.addf %mul3A_1081, %mul3A_1092 : vector<16xf32>
    %get3A_1094 = arith.constant 80 : i32
    %get3A_1095 = arith.index_cast %get3A_1094 : i32 to index
    %get3A_1096 = arith.constant 0 : index
    %get3A_1097 = tpu.vector_load %arg7[%get3A_1095, %get3A_1096] {strides = array<i32>} : memref<96x16xf32, #tpu.memory_space<vmem>>, vector<1x16xf32>,
    %get3A_1098 = vector.shape_cast %get3A_1097 : vector<1x16xf32> to vector<16xf32>
    %get3A_1099 = arith.constant 80 : i32
    %get3A_1100 = arith.index_cast %get3A_1099 : i32 to index
    %get3A_1101 = arith.constant 0 : index
    %get3A_1102 = tpu.vector_load %arg8[%get3A_1100, %get3A_1101] {strides = array<i32>} : memref<96x16xf32, #tpu.memory_space<vmem>>, vector<1x16xf32>,
    %get3A_1103 = vector.shape_cast %get3A_1102 : vector<1x16xf32> to vector<16xf32>
    %mul3A_1104 = arith.mulf %get3A_1098, %get3A_1103 : vector<16xf32>
    %add3A_1105 = arith.addf %add3A_1093, %mul3A_1104 : vector<16xf32>
    %swap3A_1106 = arith.constant 26 : i32
    %swap3A_1107 = arith.index_cast %swap3A_1106 : i32 to index
    %swap3A_1108 = arith.constant 0 : index
    %swap3A_1109 = tpu.vector_load %arg9[%swap3A_1107, %swap3A_1108] {strides = array<i32>} : memref<32x16xf32, #tpu.memory_space<vmem>>, vector<1x16xf32>,
    %swap3A_1110 = vector.shape_cast %swap3A_1109 : vector<1x16xf32> to vector<16xf32>
    %swap3A_1111 = vector.shape_cast %add3A_1105 : vector<16xf32> to vector<1x16xf32>
    tpu.vector_store %arg9[%swap3A_1107, %swap3A_1108], %swap3A_1111 {strides = array<i32>} : memref<32x16xf32, #tpu.memory_space<vmem>>, vector<1x16xf32>,
    %get3A_1112 = arith.constant 81 : i32
    %get3A_1113 = arith.index_cast %get3A_1112 : i32 to index
    %get3A_1114 = arith.constant 0 : index
    %get3A_1115 = tpu.vector_load %arg7[%get3A_1113, %get3A_1114] {strides = array<i32>} : memref<96x16xf32, #tpu.memory_space<vmem>>, vector<1x16xf32>,
    %get3A_1116 = vector.shape_cast %get3A_1115 : vector<1x16xf32> to vector<16xf32>
    %get3A_1117 = arith.constant 81 : i32
    %get3A_1118 = arith.index_cast %get3A_1117 : i32 to index
    %get3A_1119 = arith.constant 0 : index
    %get3A_1120 = tpu.vector_load %arg8[%get3A_1118, %get3A_1119] {strides = array<i32>} : memref<96x16xf32, #tpu.memory_space<vmem>>, vector<1x16xf32>,
    %get3A_1121 = vector.shape_cast %get3A_1120 : vector<1x16xf32> to vector<16xf32>
    %mul3A_1122 = arith.mulf %get3A_1116, %get3A_1121 : vector<16xf32>
    %get3A_1123 = arith.constant 82 : i32
    %get3A_1124 = arith.index_cast %get3A_1123 : i32 to index
    %get3A_1125 = arith.constant 0 : index
    %get3A_1126 = tpu.vector_load %arg7[%get3A_1124, %get3A_1125] {strides = array<i32>} : memref<96x16xf32, #tpu.memory_space<vmem>>, vector<1x16xf32>,
    %get3A_1127 = vector.shape_cast %get3A_1126 : vector<1x16xf32> to vector<16xf32>
    %get3A_1128 = arith.constant 82 : i32
    %get3A_1129 = arith.index_cast %get3A_1128 : i32 to index
    %get3A_1130 = arith.constant 0 : index
    %get3A_1131 = tpu.vector_load %arg8[%get3A_1129, %get3A_1130] {strides = array<i32>} : memref<96x16xf32, #tpu.memory_space<vmem>>, vector<1x16xf32>,
    %get3A_1132 = vector.shape_cast %get3A_1131 : vector<1x16xf32> to vector<16xf32>
    %mul3A_1133 = arith.mulf %get3A_1127, %get3A_1132 : vector<16xf32>
    %add3A_1134 = arith.addf %mul3A_1122, %mul3A_1133 : vector<16xf32>
    %get3A_1135 = arith.constant 83 : i32
    %get3A_1136 = arith.index_cast %get3A_1135 : i32 to index
    %get3A_1137 = arith.constant 0 : index
    %get3A_1138 = tpu.vector_load %arg7[%get3A_1136, %get3A_1137] {strides = array<i32>} : memref<96x16xf32, #tpu.memory_space<vmem>>, vector<1x16xf32>,
    %get3A_1139 = vector.shape_cast %get3A_1138 : vector<1x16xf32> to vector<16xf32>
    %get3A_1140 = arith.constant 83 : i32
    %get3A_1141 = arith.index_cast %get3A_1140 : i32 to index
    %get3A_1142 = arith.constant 0 : index
    %get3A_1143 = tpu.vector_load %arg8[%get3A_1141, %get3A_1142] {strides = array<i32>} : memref<96x16xf32, #tpu.memory_space<vmem>>, vector<1x16xf32>,
    %get3A_1144 = vector.shape_cast %get3A_1143 : vector<1x16xf32> to vector<16xf32>
    %mul3A_1145 = arith.mulf %get3A_1139, %get3A_1144 : vector<16xf32>
    %add3A_1146 = arith.addf %add3A_1134, %mul3A_1145 : vector<16xf32>
    %swap3A_1147 = arith.constant 27 : i32
    %swap3A_1148 = arith.index_cast %swap3A_1147 : i32 to index
    %swap3A_1149 = arith.constant 0 : index
    %swap3A_1150 = tpu.vector_load %arg9[%swap3A_1148, %swap3A_1149] {strides = array<i32>} : memref<32x16xf32, #tpu.memory_space<vmem>>, vector<1x16xf32>,
    %swap3A_1151 = vector.shape_cast %swap3A_1150 : vector<1x16xf32> to vector<16xf32>
    %swap3A_1152 = vector.shape_cast %add3A_1146 : vector<16xf32> to vector<1x16xf32>
    tpu.vector_store %arg9[%swap3A_1148, %swap3A_1149], %swap3A_1152 {strides = array<i32>} : memref<32x16xf32, #tpu.memory_space<vmem>>, vector<1x16xf32>,
    %get3A_1153 = arith.constant 84 : i32
    %get3A_1154 = arith.index_cast %get3A_1153 : i32 to index
    %get3A_1155 = arith.constant 0 : index
    %get3A_1156 = tpu.vector_load %arg7[%get3A_1154, %get3A_1155] {strides = array<i32>} : memref<96x16xf32, #tpu.memory_space<vmem>>, vector<1x16xf32>,
    %get3A_1157 = vector.shape_cast %get3A_1156 : vector<1x16xf32> to vector<16xf32>
    %get3A_1158 = arith.constant 84 : i32
    %get3A_1159 = arith.index_cast %get3A_1158 : i32 to index
    %get3A_1160 = arith.constant 0 : index
    %get3A_1161 = tpu.vector_load %arg8[%get3A_1159, %get3A_1160] {strides = array<i32>} : memref<96x16xf32, #tpu.memory_space<vmem>>, vector<1x16xf32>,
    %get3A_1162 = vector.shape_cast %get3A_1161 : vector<1x16xf32> to vector<16xf32>
    %mul3A_1163 = arith.mulf %get3A_1157, %get3A_1162 : vector<16xf32>
    %get3A_1164 = arith.constant 85 : i32
    %get3A_1165 = arith.index_cast %get3A_1164 : i32 to index
    %get3A_1166 = arith.constant 0 : index
    %get3A_1167 = tpu.vector_load %arg7[%get3A_1165, %get3A_1166] {strides = array<i32>} : memref<96x16xf32, #tpu.memory_space<vmem>>, vector<1x16xf32>,
    %get3A_1168 = vector.shape_cast %get3A_1167 : vector<1x16xf32> to vector<16xf32>
    %get3A_1169 = arith.constant 85 : i32
    %get3A_1170 = arith.index_cast %get3A_1169 : i32 to index
    %get3A_1171 = arith.constant 0 : index
    %get3A_1172 = tpu.vector_load %arg8[%get3A_1170, %get3A_1171] {strides = array<i32>} : memref<96x16xf32, #tpu.memory_space<vmem>>, vector<1x16xf32>,
    %get3A_1173 = vector.shape_cast %get3A_1172 : vector<1x16xf32> to vector<16xf32>
    %mul3A_1174 = arith.mulf %get3A_1168, %get3A_1173 : vector<16xf32>
    %add3A_1175 = arith.addf %mul3A_1163, %mul3A_1174 : vector<16xf32>
    %get3A_1176 = arith.constant 86 : i32
    %get3A_1177 = arith.index_cast %get3A_1176 : i32 to index
    %get3A_1178 = arith.constant 0 : index
    %get3A_1179 = tpu.vector_load %arg7[%get3A_1177, %get3A_1178] {strides = array<i32>} : memref<96x16xf32, #tpu.memory_space<vmem>>, vector<1x16xf32>,
    %get3A_1180 = vector.shape_cast %get3A_1179 : vector<1x16xf32> to vector<16xf32>
    %get3A_1181 = arith.constant 86 : i32
    %get3A_1182 = arith.index_cast %get3A_1181 : i32 to index
    %get3A_1183 = arith.constant 0 : index
    %get3A_1184 = tpu.vector_load %arg8[%get3A_1182, %get3A_1183] {strides = array<i32>} : memref<96x16xf32, #tpu.memory_space<vmem>>, vector<1x16xf32>,
    %get3A_1185 = vector.shape_cast %get3A_1184 : vector<1x16xf32> to vector<16xf32>
    %mul3A_1186 = arith.mulf %get3A_1180, %get3A_1185 : vector<16xf32>
    %add3A_1187 = arith.addf %add3A_1175, %mul3A_1186 : vector<16xf32>
    %swap3A_1188 = arith.constant 28 : i32
    %swap3A_1189 = arith.index_cast %swap3A_1188 : i32 to index
    %swap3A_1190 = arith.constant 0 : index
    %swap3A_1191 = tpu.vector_load %arg9[%swap3A_1189, %swap3A_1190] {strides = array<i32>} : memref<32x16xf32, #tpu.memory_space<vmem>>, vector<1x16xf32>,
    %swap3A_1192 = vector.shape_cast %swap3A_1191 : vector<1x16xf32> to vector<16xf32>
    %swap3A_1193 = vector.shape_cast %add3A_1187 : vector<16xf32> to vector<1x16xf32>
    tpu.vector_store %arg9[%swap3A_1189, %swap3A_1190], %swap3A_1193 {strides = array<i32>} : memref<32x16xf32, #tpu.memory_space<vmem>>, vector<1x16xf32>,
    %get3A_1194 = arith.constant 87 : i32
    %get3A_1195 = arith.index_cast %get3A_1194 : i32 to index
    %get3A_1196 = arith.constant 0 : index
    %get3A_1197 = tpu.vector_load %arg7[%get3A_1195, %get3A_1196] {strides = array<i32>} : memref<96x16xf32, #tpu.memory_space<vmem>>, vector<1x16xf32>,
    %get3A_1198 = vector.shape_cast %get3A_1197 : vector<1x16xf32> to vector<16xf32>
    %get3A_1199 = arith.constant 87 : i32
    %get3A_1200 = arith.index_cast %get3A_1199 : i32 to index
    %get3A_1201 = arith.constant 0 : index
    %get3A_1202 = tpu.vector_load %arg8[%get3A_1200, %get3A_1201] {strides = array<i32>} : memref<96x16xf32, #tpu.memory_space<vmem>>, vector<1x16xf32>,
    %get3A_1203 = vector.shape_cast %get3A_1202 : vector<1x16xf32> to vector<16xf32>
    %mul3A_1204 = arith.mulf %get3A_1198, %get3A_1203 : vector<16xf32>
    %get3A_1205 = arith.constant 88 : i32
    %get3A_1206 = arith.index_cast %get3A_1205 : i32 to index
    %get3A_1207 = arith.constant 0 : index
    %get3A_1208 = tpu.vector_load %arg7[%get3A_1206, %get3A_1207] {strides = array<i32>} : memref<96x16xf32, #tpu.memory_space<vmem>>, vector<1x16xf32>,
    %get3A_1209 = vector.shape_cast %get3A_1208 : vector<1x16xf32> to vector<16xf32>
    %get3A_1210 = arith.constant 88 : i32
    %get3A_1211 = arith.index_cast %get3A_1210 : i32 to index
    %get3A_1212 = arith.constant 0 : index
    %get3A_1213 = tpu.vector_load %arg8[%get3A_1211, %get3A_1212] {strides = array<i32>} : memref<96x16xf32, #tpu.memory_space<vmem>>, vector<1x16xf32>,
    %get3A_1214 = vector.shape_cast %get3A_1213 : vector<1x16xf32> to vector<16xf32>
    %mul3A_1215 = arith.mulf %get3A_1209, %get3A_1214 : vector<16xf32>
    %add3A_1216 = arith.addf %mul3A_1204, %mul3A_1215 : vector<16xf32>
    %get3A_1217 = arith.constant 89 : i32
    %get3A_1218 = arith.index_cast %get3A_1217 : i32 to index
    %get3A_1219 = arith.constant 0 : index
    %get3A_1220 = tpu.vector_load %arg7[%get3A_1218, %get3A_1219] {strides = array<i32>} : memref<96x16xf32, #tpu.memory_space<vmem>>, vector<1x16xf32>,
    %get3A_1221 = vector.shape_cast %get3A_1220 : vector<1x16xf32> to vector<16xf32>
    %get3A_1222 = arith.constant 89 : i32
    %get3A_1223 = arith.index_cast %get3A_1222 : i32 to index
    %get3A_1224 = arith.constant 0 : index
    %get3A_1225 = tpu.vector_load %arg8[%get3A_1223, %get3A_1224] {strides = array<i32>} : memref<96x16xf32, #tpu.memory_space<vmem>>, vector<1x16xf32>,
    %get3A_1226 = vector.shape_cast %get3A_1225 : vector<1x16xf32> to vector<16xf32>
    %mul3A_1227 = arith.mulf %get3A_1221, %get3A_1226 : vector<16xf32>
    %add3A_1228 = arith.addf %add3A_1216, %mul3A_1227 : vector<16xf32>
    %swap3A_1229 = arith.constant 29 : i32
    %swap3A_1230 = arith.index_cast %swap3A_1229 : i32 to index
    %swap3A_1231 = arith.constant 0 : index
    %swap3A_1232 = tpu.vector_load %arg9[%swap3A_1230, %swap3A_1231] {strides = array<i32>} : memref<32x16xf32, #tpu.memory_space<vmem>>, vector<1x16xf32>,
    %swap3A_1233 = vector.shape_cast %swap3A_1232 : vector<1x16xf32> to vector<16xf32>
    %swap3A_1234 = vector.shape_cast %add3A_1228 : vector<16xf32> to vector<1x16xf32>
    tpu.vector_store %arg9[%swap3A_1230, %swap3A_1231], %swap3A_1234 {strides = array<i32>} : memref<32x16xf32, #tpu.memory_space<vmem>>, vector<1x16xf32>,
    %get3A_1235 = arith.constant 90 : i32
    %get3A_1236 = arith.index_cast %get3A_1235 : i32 to index
    %get3A_1237 = arith.constant 0 : index
    %get3A_1238 = tpu.vector_load %arg7[%get3A_1236, %get3A_1237] {strides = array<i32>} : memref<96x16xf32, #tpu.memory_space<vmem>>, vector<1x16xf32>,
    %get3A_1239 = vector.shape_cast %get3A_1238 : vector<1x16xf32> to vector<16xf32>
    %get3A_1240 = arith.constant 90 : i32
    %get3A_1241 = arith.index_cast %get3A_1240 : i32 to index
    %get3A_1242 = arith.constant 0 : index
    %get3A_1243 = tpu.vector_load %arg8[%get3A_1241, %get3A_1242] {strides = array<i32>} : memref<96x16xf32, #tpu.memory_space<vmem>>, vector<1x16xf32>,
    %get3A_1244 = vector.shape_cast %get3A_1243 : vector<1x16xf32> to vector<16xf32>
    %mul3A_1245 = arith.mulf %get3A_1239, %get3A_1244 : vector<16xf32>
    %get3A_1246 = arith.constant 91 : i32
    %get3A_1247 = arith.index_cast %get3A_1246 : i32 to index
    %get3A_1248 = arith.constant 0 : index
    %get3A_1249 = tpu.vector_load %arg7[%get3A_1247, %get3A_1248] {strides = array<i32>} : memref<96x16xf32, #tpu.memory_space<vmem>>, vector<1x16xf32>,
    %get3A_1250 = vector.shape_cast %get3A_1249 : vector<1x16xf32> to vector<16xf32>
    %get3A_1251 = arith.constant 91 : i32
    %get3A_1252 = arith.index_cast %get3A_1251 : i32 to index
    %get3A_1253 = arith.constant 0 : index
    %get3A_1254 = tpu.vector_load %arg8[%get3A_1252, %get3A_1253] {strides = array<i32>} : memref<96x16xf32, #tpu.memory_space<vmem>>, vector<1x16xf32>,
    %get3A_1255 = vector.shape_cast %get3A_1254 : vector<1x16xf32> to vector<16xf32>
    %mul3A_1256 = arith.mulf %get3A_1250, %get3A_1255 : vector<16xf32>
    %add3A_1257 = arith.addf %mul3A_1245, %mul3A_1256 : vector<16xf32>
    %get3A_1258 = arith.constant 92 : i32
    %get3A_1259 = arith.index_cast %get3A_1258 : i32 to index
    %get3A_1260 = arith.constant 0 : index
    %get3A_1261 = tpu.vector_load %arg7[%get3A_1259, %get3A_1260] {strides = array<i32>} : memref<96x16xf32, #tpu.memory_space<vmem>>, vector<1x16xf32>,
    %get3A_1262 = vector.shape_cast %get3A_1261 : vector<1x16xf32> to vector<16xf32>
    %get3A_1263 = arith.constant 92 : i32
    %get3A_1264 = arith.index_cast %get3A_1263 : i32 to index
    %get3A_1265 = arith.constant 0 : index
    %get3A_1266 = tpu.vector_load %arg8[%get3A_1264, %get3A_1265] {strides = array<i32>} : memref<96x16xf32, #tpu.memory_space<vmem>>, vector<1x16xf32>,
    %get3A_1267 = vector.shape_cast %get3A_1266 : vector<1x16xf32> to vector<16xf32>
    %mul3A_1268 = arith.mulf %get3A_1262, %get3A_1267 : vector<16xf32>
    %add3A_1269 = arith.addf %add3A_1257, %mul3A_1268 : vector<16xf32>
    %swap3A_1270 = arith.constant 30 : i32
    %swap3A_1271 = arith.index_cast %swap3A_1270 : i32 to index
    %swap3A_1272 = arith.constant 0 : index
    %swap3A_1273 = tpu.vector_load %arg9[%swap3A_1271, %swap3A_1272] {strides = array<i32>} : memref<32x16xf32, #tpu.memory_space<vmem>>, vector<1x16xf32>,
    %swap3A_1274 = vector.shape_cast %swap3A_1273 : vector<1x16xf32> to vector<16xf32>
    %swap3A_1275 = vector.shape_cast %add3A_1269 : vector<16xf32> to vector<1x16xf32>
    tpu.vector_store %arg9[%swap3A_1271, %swap3A_1272], %swap3A_1275 {strides = array<i32>} : memref<32x16xf32, #tpu.memory_space<vmem>>, vector<1x16xf32>,
    %get3A_1276 = arith.constant 93 : i32
    %get3A_1277 = arith.index_cast %get3A_1276 : i32 to index
    %get3A_1278 = arith.constant 0 : index
    %get3A_1279 = tpu.vector_load %arg7[%get3A_1277, %get3A_1278] {strides = array<i32>} : memref<96x16xf32, #tpu.memory_space<vmem>>, vector<1x16xf32>,
    %get3A_1280 = vector.shape_cast %get3A_1279 : vector<1x16xf32> to vector<16xf32>
    %get3A_1281 = arith.constant 93 : i32
    %get3A_1282 = arith.index_cast %get3A_1281 : i32 to index
    %get3A_1283 = arith.constant 0 : index
    %get3A_1284 = tpu.vector_load %arg8[%get3A_1282, %get3A_1283] {strides = array<i32>} : memref<96x16xf32, #tpu.memory_space<vmem>>, vector<1x16xf32>,
    %get3A_1285 = vector.shape_cast %get3A_1284 : vector<1x16xf32> to vector<16xf32>
    %mul3A_1286 = arith.mulf %get3A_1280, %get3A_1285 : vector<16xf32>
    %get3A_1287 = arith.constant 94 : i32
    %get3A_1288 = arith.index_cast %get3A_1287 : i32 to index
    %get3A_1289 = arith.constant 0 : index
    %get3A_1290 = tpu.vector_load %arg7[%get3A_1288, %get3A_1289] {strides = array<i32>} : memref<96x16xf32, #tpu.memory_space<vmem>>, vector<1x16xf32>,
    %get3A_1291 = vector.shape_cast %get3A_1290 : vector<1x16xf32> to vector<16xf32>
    %get3A_1292 = arith.constant 94 : i32
    %get3A_1293 = arith.index_cast %get3A_1292 : i32 to index
    %get3A_1294 = arith.constant 0 : index
    %get3A_1295 = tpu.vector_load %arg8[%get3A_1293, %get3A_1294] {strides = array<i32>} : memref<96x16xf32, #tpu.memory_space<vmem>>, vector<1x16xf32>,
    %get3A_1296 = vector.shape_cast %get3A_1295 : vector<1x16xf32> to vector<16xf32>
    %mul3A_1297 = arith.mulf %get3A_1291, %get3A_1296 : vector<16xf32>
    %add3A_1298 = arith.addf %mul3A_1286, %mul3A_1297 : vector<16xf32>
    %get3A_1299 = arith.constant 95 : i32
    %get3A_1300 = arith.index_cast %get3A_1299 : i32 to index
    %get3A_1301 = arith.constant 0 : index
    %get3A_1302 = tpu.vector_load %arg7[%get3A_1300, %get3A_1301] {strides = array<i32>} : memref<96x16xf32, #tpu.memory_space<vmem>>, vector<1x16xf32>,
    %get3A_1303 = vector.shape_cast %get3A_1302 : vector<1x16xf32> to vector<16xf32>
    %get3A_1304 = arith.constant 95 : i32
    %get3A_1305 = arith.index_cast %get3A_1304 : i32 to index
    %get3A_1306 = arith.constant 0 : index
    %get3A_1307 = tpu.vector_load %arg8[%get3A_1305, %get3A_1306] {strides = array<i32>} : memref<96x16xf32, #tpu.memory_space<vmem>>, vector<1x16xf32>,
    %get3A_1308 = vector.shape_cast %get3A_1307 : vector<1x16xf32> to vector<16xf32>
    %mul3A_1309 = arith.mulf %get3A_1303, %get3A_1308 : vector<16xf32>
    %add3A_1310 = arith.addf %add3A_1298, %mul3A_1309 : vector<16xf32>
    %swap3A_1311 = arith.constant 31 : i32
    %swap3A_1312 = arith.index_cast %swap3A_1311 : i32 to index
    %swap3A_1313 = arith.constant 0 : index
    %swap3A_1314 = tpu.vector_load %arg9[%swap3A_1312, %swap3A_1313] {strides = array<i32>} : memref<32x16xf32, #tpu.memory_space<vmem>>, vector<1x16xf32>,
    %swap3A_1315 = vector.shape_cast %swap3A_1314 : vector<1x16xf32> to vector<16xf32>
    %swap3A_1316 = vector.shape_cast %add3A_1310 : vector<16xf32> to vector<1x16xf32>
    tpu.vector_store %arg9[%swap3A_1312, %swap3A_1313], %swap3A_1316 {strides = array<i32>} : memref<32x16xf32, #tpu.memory_space<vmem>>, vector<1x16xf32>,
    %mul3A_1317 = arith.constant 32 : i32
    %mul3A_1318 = arith.muli %add3A, %mul3A_1317 : i32
    "tpu.region"() ({
      %run_scoped3A = tpu.sem_alloc : memref<!tpu.dma_semaphore, #tpu.memory_space<semaphore_mem>>
      %dma_start3A_1319 = arith.constant 0 : i32
      %dma_start3A_1320 = tpu.memref_slice %arg5[%mul3A_1318, %dma_start3A_1319] : memref<1024x16xf32, #tpu.memory_space<hbm>> -> memref<32x16xf32, #tpu.memory_space<hbm>>
      %dma_start3A_1321 = arith.constant 0 : i32
      %dma_start3A_1322 = tpu.memref_slice %arg5[%mul3A_1318, %dma_start3A_1321] : memref<1024x16xf32, #tpu.memory_space<hbm>> -> memref<32x16xf32, #tpu.memory_space<hbm>>
      tpu.enqueue_dma source(%arg9 : memref<32x16xf32, #tpu.memory_space<vmem>>) target(%dma_start3A_1322 : memref<32x16xf32, #tpu.memory_space<hbm>>) target_semaphore(%run_scoped3A : memref<!tpu.dma_semaphore, #tpu.memory_space<semaphore_mem>>)
      %dma_wait3A_1323 = arith.constant 0 : i32
      %dma_wait3A_1324 = tpu.memref_slice %arg5[%mul3A_1318, %dma_wait3A_1323] : memref<1024x16xf32, #tpu.memory_space<hbm>> -> memref<32x16xf32, #tpu.memory_space<hbm>>
      %dma_wait3A_1325 = arith.constant 0 : i32
      %dma_wait3A_1326 = tpu.memref_slice %arg5[%mul3A_1318, %dma_wait3A_1325] : memref<1024x16xf32, #tpu.memory_space<hbm>> -> memref<32x16xf32, #tpu.memory_space<hbm>>
      tpu.wait_dma2 semaphore(%run_scoped3A : memref<!tpu.dma_semaphore, #tpu.memory_space<semaphore_mem>>) src(%arg9 : memref<32x16xf32, #tpu.memory_space<vmem>>) dst(%dma_wait3A_1326 : memref<32x16xf32, #tpu.memory_space<hbm>>)
      tpu.yield
    }) : () -> ()
    return
  }
}

module attributes {stable_mosaic.version = 14 : i64} {
  func.func @_topk_body(%arg0: i32, %arg1: memref<1024x32xf32, #tpu.memory_space<vmem>>, %arg2: memref<4096x32xf32, #tpu.memory_space<vmem>>, %arg3: memref<1024x8xf32, #tpu.memory_space<vmem>>, %arg4: memref<1024x8xi32, #tpu.memory_space<vmem>>, %arg5: memref<1024x1xf32, #tpu.memory_space<vmem>>, %arg6: memref<1024x1xi32, #tpu.memory_space<vmem>>, %arg7: memref<1024x1xf32, #tpu.memory_space<vmem>>, %arg8: memref<1024x1xi32, #tpu.memory_space<vmem>>, %arg9: memref<1024x1xf32, #tpu.memory_space<vmem>>, %arg10: memref<1024x1xi32, #tpu.memory_space<vmem>>) attributes {dimension_semantics = [#tpu.dimension_semantics<arbitrary>], iteration_bounds = array<i64: 25>, scalar_prefetch = 0 : i64, scratch_operands = 6 : i64, tpu.core_type = #tpu.core_type<tc>, window_params = [{pipeline_mode = #tpu.pipeline_mode<synchronous>, transform_indices = @transform_0, window_bounds = array<i64: 1024, 32>}, {transform_indices = @transform_1, window_bounds = array<i64: 4096, 32>}, {pipeline_mode = #tpu.pipeline_mode<synchronous>, transform_indices = @transform_2, window_bounds = array<i64: 1024, 8>}, {pipeline_mode = #tpu.pipeline_mode<synchronous>, transform_indices = @transform_3, window_bounds = array<i64: 1024, 8>}]} {
    %eq3A = arith.constant 0 : i32
    %eq3A_0 = arith.cmpi eq, %arg0, %eq3A : i32
    %convert_element_type3A = arith.extui %eq3A_0 : i1 to i32
    %cond3A = arith.constant 0 : i32
    %cond3A_1 = arith.cmpi ne, %convert_element_type3A, %cond3A : i32
    scf.if %cond3A_1 {
      %broadcast_in_dim3A_164 = arith.constant 0x7F800000 : f32
      %broadcast_in_dim3A_165 = vector.broadcast %broadcast_in_dim3A_164 : f32 to vector<1024x1xf32>
      %swap3A_166 = arith.constant 0 : index
      %swap3A_167 = arith.constant 0 : index
      %swap3A_168 = vector.load %arg5[%swap3A_166, %swap3A_167] : memref<1024x1xf32, #tpu.memory_space<vmem>>, vector<1024x1xf32>
      tpu.vector_store %arg5[%swap3A_166, %swap3A_167], %broadcast_in_dim3A_165 {strides = array<i32>} : memref<1024x1xf32, #tpu.memory_space<vmem>>, vector<1024x1xf32>,
      %broadcast_in_dim3A_169 = arith.constant 0x7F800000 : f32
      %broadcast_in_dim3A_170 = vector.broadcast %broadcast_in_dim3A_169 : f32 to vector<1024x1xf32>
      %swap3A_171 = arith.constant 0 : index
      %swap3A_172 = arith.constant 0 : index
      %swap3A_173 = vector.load %arg7[%swap3A_171, %swap3A_172] : memref<1024x1xf32, #tpu.memory_space<vmem>>, vector<1024x1xf32>
      tpu.vector_store %arg7[%swap3A_171, %swap3A_172], %broadcast_in_dim3A_170 {strides = array<i32>} : memref<1024x1xf32, #tpu.memory_space<vmem>>, vector<1024x1xf32>,
      %broadcast_in_dim3A_174 = arith.constant 0x7F800000 : f32
      %broadcast_in_dim3A_175 = vector.broadcast %broadcast_in_dim3A_174 : f32 to vector<1024x1xf32>
      %swap3A_176 = arith.constant 0 : index
      %swap3A_177 = arith.constant 0 : index
      %swap3A_178 = vector.load %arg9[%swap3A_176, %swap3A_177] : memref<1024x1xf32, #tpu.memory_space<vmem>>, vector<1024x1xf32>
      tpu.vector_store %arg9[%swap3A_176, %swap3A_177], %broadcast_in_dim3A_175 {strides = array<i32>} : memref<1024x1xf32, #tpu.memory_space<vmem>>, vector<1024x1xf32>,
      %broadcast_in_dim3A_179 = arith.constant 2147483647 : i32
      %broadcast_in_dim3A_180 = vector.broadcast %broadcast_in_dim3A_179 : i32 to vector<1024x1xi32>
      %swap3A_181 = arith.constant 0 : index
      %swap3A_182 = arith.constant 0 : index
      %swap3A_183 = vector.load %arg6[%swap3A_181, %swap3A_182] : memref<1024x1xi32, #tpu.memory_space<vmem>>, vector<1024x1xi32>
      tpu.vector_store %arg6[%swap3A_181, %swap3A_182], %broadcast_in_dim3A_180 {strides = array<i32>} : memref<1024x1xi32, #tpu.memory_space<vmem>>, vector<1024x1xi32>,
      %broadcast_in_dim3A_184 = arith.constant 2147483647 : i32
      %broadcast_in_dim3A_185 = vector.broadcast %broadcast_in_dim3A_184 : i32 to vector<1024x1xi32>
      %swap3A_186 = arith.constant 0 : index
      %swap3A_187 = arith.constant 0 : index
      %swap3A_188 = vector.load %arg8[%swap3A_186, %swap3A_187] : memref<1024x1xi32, #tpu.memory_space<vmem>>, vector<1024x1xi32>
      tpu.vector_store %arg8[%swap3A_186, %swap3A_187], %broadcast_in_dim3A_185 {strides = array<i32>} : memref<1024x1xi32, #tpu.memory_space<vmem>>, vector<1024x1xi32>,
      %broadcast_in_dim3A_189 = arith.constant 2147483647 : i32
      %broadcast_in_dim3A_190 = vector.broadcast %broadcast_in_dim3A_189 : i32 to vector<1024x1xi32>
      %swap3A_191 = arith.constant 0 : index
      %swap3A_192 = arith.constant 0 : index
      %swap3A_193 = vector.load %arg10[%swap3A_191, %swap3A_192] : memref<1024x1xi32, #tpu.memory_space<vmem>>, vector<1024x1xi32>
      tpu.vector_store %arg10[%swap3A_191, %swap3A_192], %broadcast_in_dim3A_190 {strides = array<i32>} : memref<1024x1xi32, #tpu.memory_space<vmem>>, vector<1024x1xi32>,
    } else {
    }
    %get3A = arith.constant 0 : index
    %get3A_2 = arith.constant 0 : index
    %get3A_3 = vector.load %arg1[%get3A, %get3A_2] : memref<1024x32xf32, #tpu.memory_space<vmem>>, vector<1024x32xf32>
    %get3A_4 = arith.constant 0 : index
    %get3A_5 = arith.constant 0 : index
    %get3A_6 = vector.load %arg2[%get3A_4, %get3A_5] : memref<4096x32xf32, #tpu.memory_space<vmem>>, vector<4096x32xf32>
    %mul3A = arith.constant -2.000000e+00 : f32
    %mul3A_7 = vector.broadcast %mul3A : f32 to vector<1024x32xf32>
    %mul3A_8 = arith.mulf %mul3A_7, %get3A_3 : vector<1024x32xf32>
    %dot_general3A = arith.constant dense<0.000000e+00> : vector<1024x4096xf32>
    %dot_general3A_9 = tpu.matmul %mul3A_8, %get3A_6, %dot_general3A {dimension_numbers = #tpu.dot_dimension_numbers<[1], [1], [0], [0], [0, 0, 1, 0], [], []>, transpose_lhs_hint = false} : vector<1024x32xf32>, vector<4096x32xf32>, vector<1024x4096xf32> -> vector<1024x4096xf32>
    %mul3A_10 = arith.mulf %get3A_3, %get3A_3 : vector<1024x32xf32>
    %reduce_sum3A = arith.constant dense<0.000000e+00> : vector<1024xf32>
    %reduce_sum3A_11 = vector.multi_reduction <add>, %mul3A_10, %reduce_sum3A [1] : vector<1024x32xf32> to vector<1024xf32>
    %broadcast_in_dim3A = vector.shape_cast %reduce_sum3A_11 : vector<1024xf32> to vector<1024x1xf32>
    %iota3A = tpu.iota {dimensions = array<i32: 1>} : vector<1x4096xi32>
    %mul3A_12 = arith.mulf %get3A_6, %get3A_6 : vector<4096x32xf32>
    %reduce_sum3A_13 = arith.constant dense<0.000000e+00> : vector<4096xf32>
    %reduce_sum3A_14 = vector.multi_reduction <add>, %mul3A_12, %reduce_sum3A_13 [1] : vector<4096x32xf32> to vector<4096xf32>
    %broadcast_in_dim3A_15 = vector.shape_cast %reduce_sum3A_14 : vector<4096xf32> to vector<1x4096xf32>
    %mul3A_16 = arith.constant 4096 : i32
    %mul3A_17 = arith.muli %arg0, %mul3A_16 : i32
    %add3A = vector.broadcast %mul3A_17 : i32 to vector<1x4096xi32>
    %add3A_18 = arith.addi %add3A, %iota3A : vector<1x4096xi32>
    %lt3A = arith.constant 100000 : i32
    %lt3A_19 = vector.broadcast %lt3A : i32 to vector<1x4096xi32>
    %lt3A_20 = arith.cmpi slt, %add3A_18, %lt3A_19 : vector<1x4096xi32>
    %jit3A = arith.constant 0x7F800000 : f32
    %broadcast_in_dim3A_21 = vector.broadcast %jit3A : f32 to vector<1x4096xf32>
    %select_n3A = arith.select %lt3A_20, %broadcast_in_dim3A_15, %broadcast_in_dim3A_21 : vector<1x4096xi1>, vector<1x4096xf32>
    %add3A_22 = vector.broadcast %broadcast_in_dim3A : vector<1024x1xf32> to vector<1024x4096xf32>
    %add3A_23 = arith.addf %add3A_22, %dot_general3A_9 : vector<1024x4096xf32>
    %add3A_24 = vector.broadcast %select_n3A : vector<1x4096xf32> to vector<1024x4096xf32>
    %add3A_25 = arith.addf %add3A_23, %add3A_24 : vector<1024x4096xf32>
    %iota3A_26 = tpu.iota {dimensions = array<i32: 1>} : vector<1024x4096xi32>
    %convert_element_type3A_27 = arith.sitofp %iota3A_26 : vector<1024x4096xi32> to vector<1024x4096xf32>
    %get3A_28 = arith.constant 0 : index
    %get3A_29 = arith.constant 0 : index
    %get3A_30 = vector.load %arg5[%get3A_28, %get3A_29] : memref<1024x1xf32, #tpu.memory_space<vmem>>, vector<1024x1xf32>
    %get3A_31 = arith.constant 0 : index
    %get3A_32 = arith.constant 0 : index
    %get3A_33 = vector.load %arg6[%get3A_31, %get3A_32] : memref<1024x1xi32, #tpu.memory_space<vmem>>, vector<1024x1xi32>
    %get3A_34 = arith.constant 0 : index
    %get3A_35 = arith.constant 0 : index
    %get3A_36 = vector.load %arg7[%get3A_34, %get3A_35] : memref<1024x1xf32, #tpu.memory_space<vmem>>, vector<1024x1xf32>
    %get3A_37 = arith.constant 0 : index
    %get3A_38 = arith.constant 0 : index
    %get3A_39 = vector.load %arg8[%get3A_37, %get3A_38] : memref<1024x1xi32, #tpu.memory_space<vmem>>, vector<1024x1xi32>
    %get3A_40 = arith.constant 0 : index
    %get3A_41 = arith.constant 0 : index
    %get3A_42 = vector.load %arg9[%get3A_40, %get3A_41] : memref<1024x1xf32, #tpu.memory_space<vmem>>, vector<1024x1xf32>
    %get3A_43 = arith.constant 0 : index
    %get3A_44 = arith.constant 0 : index
    %get3A_45 = vector.load %arg10[%get3A_43, %get3A_44] : memref<1024x1xi32, #tpu.memory_space<vmem>>, vector<1024x1xi32>
    %reduce_min3A = arith.constant dense<0x7F800000> : vector<1024xf32>
    %reduce_min3A_46 = vector.multi_reduction <minimumf>, %add3A_25, %reduce_min3A [1] : vector<1024x4096xf32> to vector<1024xf32>
    %broadcast_in_dim3A_47 = vector.shape_cast %reduce_min3A_46 : vector<1024xf32> to vector<1024x1xf32>
    %eq3A_48 = vector.broadcast %broadcast_in_dim3A_47 : vector<1024x1xf32> to vector<1024x4096xf32>
    %eq3A_49 = arith.cmpf oeq, %add3A_25, %eq3A_48 : vector<1024x4096xf32>
    %jit3A_50 = arith.constant 0x7F800000 : f32
    %broadcast_in_dim3A_51 = vector.broadcast %jit3A_50 : f32 to vector<1024x4096xf32>
    %select_n3A_52 = arith.select %eq3A_49, %convert_element_type3A_27, %broadcast_in_dim3A_51 : vector<1024x4096xi1>, vector<1024x4096xf32>
    %reduce_min3A_53 = arith.constant dense<0x7F800000> : vector<1024xf32>
    %reduce_min3A_54 = vector.multi_reduction <minimumf>, %select_n3A_52, %reduce_min3A_53 [1] : vector<1024x4096xf32> to vector<1024xf32>
    %broadcast_in_dim3A_55 = vector.shape_cast %reduce_min3A_54 : vector<1024xf32> to vector<1024x1xf32>
    %eq3A_56 = vector.broadcast %broadcast_in_dim3A_55 : vector<1024x1xf32> to vector<1024x4096xf32>
    %eq3A_57 = arith.cmpf oeq, %convert_element_type3A_27, %eq3A_56 : vector<1024x4096xf32>
    %jit3A_58 = arith.constant 0x7F800000 : f32
    %broadcast_in_dim3A_59 = vector.broadcast %jit3A_58 : f32 to vector<1024x4096xf32>
    %select_n3A_60 = arith.select %eq3A_57, %broadcast_in_dim3A_59, %add3A_25 : vector<1024x4096xi1>, vector<1024x4096xf32>
    %mul3A_61 = arith.constant 4096 : i32
    %mul3A_62 = arith.muli %arg0, %mul3A_61 : i32
    %convert_element_type3A_63 = arith.fptosi %broadcast_in_dim3A_55 : vector<1024x1xf32> to vector<1024x1xi32>
    %add3A_64 = vector.broadcast %mul3A_62 : i32 to vector<1024x1xi32>
    %add3A_65 = arith.addi %add3A_64, %convert_element_type3A_63 : vector<1024x1xi32>
    %lt3A_66 = arith.cmpf olt, %broadcast_in_dim3A_47, %get3A_30 : vector<1024x1xf32>
    %lt3A_67 = arith.cmpf olt, %broadcast_in_dim3A_47, %get3A_36 : vector<1024x1xf32>
    %lt3A_68 = arith.cmpf olt, %broadcast_in_dim3A_47, %get3A_42 : vector<1024x1xf32>
    %select_n3A_69 = arith.select %lt3A_66, %broadcast_in_dim3A_47, %get3A_30 : vector<1024x1xi1>, vector<1024x1xf32>
    %select_n3A_70 = arith.select %lt3A_66, %add3A_65, %get3A_33 : vector<1024x1xi1>, vector<1024x1xi32>
    %select_n3A_71 = arith.select %lt3A_67, %broadcast_in_dim3A_47, %get3A_36 : vector<1024x1xi1>, vector<1024x1xf32>
    %select_n3A_72 = arith.select %lt3A_66, %get3A_30, %select_n3A_71 : vector<1024x1xi1>, vector<1024x1xf32>
    %select_n3A_73 = arith.select %lt3A_67, %add3A_65, %get3A_39 : vector<1024x1xi1>, vector<1024x1xi32>
    %select_n3A_74 = arith.select %lt3A_66, %get3A_33, %select_n3A_73 : vector<1024x1xi1>, vector<1024x1xi32>
    %select_n3A_75 = arith.select %lt3A_68, %broadcast_in_dim3A_47, %get3A_42 : vector<1024x1xi1>, vector<1024x1xf32>
    %select_n3A_76 = arith.select %lt3A_67, %get3A_36, %select_n3A_75 : vector<1024x1xi1>, vector<1024x1xf32>
    %select_n3A_77 = arith.select %lt3A_68, %add3A_65, %get3A_45 : vector<1024x1xi1>, vector<1024x1xi32>
    %select_n3A_78 = arith.select %lt3A_67, %get3A_39, %select_n3A_77 : vector<1024x1xi1>, vector<1024x1xi32>
    %reduce_min3A_79 = arith.constant dense<0x7F800000> : vector<1024xf32>
    %reduce_min3A_80 = vector.multi_reduction <minimumf>, %select_n3A_60, %reduce_min3A_79 [1] : vector<1024x4096xf32> to vector<1024xf32>
    %broadcast_in_dim3A_81 = vector.shape_cast %reduce_min3A_80 : vector<1024xf32> to vector<1024x1xf32>
    %eq3A_82 = vector.broadcast %broadcast_in_dim3A_81 : vector<1024x1xf32> to vector<1024x4096xf32>
    %eq3A_83 = arith.cmpf oeq, %select_n3A_60, %eq3A_82 : vector<1024x4096xf32>
    %jit3A_84 = arith.constant 0x7F800000 : f32
    %broadcast_in_dim3A_85 = vector.broadcast %jit3A_84 : f32 to vector<1024x4096xf32>
    %select_n3A_86 = arith.select %eq3A_83, %convert_element_type3A_27, %broadcast_in_dim3A_85 : vector<1024x4096xi1>, vector<1024x4096xf32>
    %reduce_min3A_87 = arith.constant dense<0x7F800000> : vector<1024xf32>
    %reduce_min3A_88 = vector.multi_reduction <minimumf>, %select_n3A_86, %reduce_min3A_87 [1] : vector<1024x4096xf32> to vector<1024xf32>
    %broadcast_in_dim3A_89 = vector.shape_cast %reduce_min3A_88 : vector<1024xf32> to vector<1024x1xf32>
    %eq3A_90 = vector.broadcast %broadcast_in_dim3A_89 : vector<1024x1xf32> to vector<1024x4096xf32>
    %eq3A_91 = arith.cmpf oeq, %convert_element_type3A_27, %eq3A_90 : vector<1024x4096xf32>
    %jit3A_92 = arith.constant 0x7F800000 : f32
    %broadcast_in_dim3A_93 = vector.broadcast %jit3A_92 : f32 to vector<1024x4096xf32>
    %select_n3A_94 = arith.select %eq3A_91, %broadcast_in_dim3A_93, %select_n3A_60 : vector<1024x4096xi1>, vector<1024x4096xf32>
    %mul3A_95 = arith.constant 4096 : i32
    %mul3A_96 = arith.muli %arg0, %mul3A_95 : i32
    %convert_element_type3A_97 = arith.fptosi %broadcast_in_dim3A_89 : vector<1024x1xf32> to vector<1024x1xi32>
    %add3A_98 = vector.broadcast %mul3A_96 : i32 to vector<1024x1xi32>
    %add3A_99 = arith.addi %add3A_98, %convert_element_type3A_97 : vector<1024x1xi32>
    %lt3A_100 = arith.cmpf olt, %broadcast_in_dim3A_81, %select_n3A_69 : vector<1024x1xf32>
    %lt3A_101 = arith.cmpf olt, %broadcast_in_dim3A_81, %select_n3A_72 : vector<1024x1xf32>
    %lt3A_102 = arith.cmpf olt, %broadcast_in_dim3A_81, %select_n3A_76 : vector<1024x1xf32>
    %select_n3A_103 = arith.select %lt3A_100, %broadcast_in_dim3A_81, %select_n3A_69 : vector<1024x1xi1>, vector<1024x1xf32>
    %select_n3A_104 = arith.select %lt3A_100, %add3A_99, %select_n3A_70 : vector<1024x1xi1>, vector<1024x1xi32>
    %select_n3A_105 = arith.select %lt3A_101, %broadcast_in_dim3A_81, %select_n3A_72 : vector<1024x1xi1>, vector<1024x1xf32>
    %select_n3A_106 = arith.select %lt3A_100, %select_n3A_69, %select_n3A_105 : vector<1024x1xi1>, vector<1024x1xf32>
    %select_n3A_107 = arith.select %lt3A_101, %add3A_99, %select_n3A_74 : vector<1024x1xi1>, vector<1024x1xi32>
    %select_n3A_108 = arith.select %lt3A_100, %select_n3A_70, %select_n3A_107 : vector<1024x1xi1>, vector<1024x1xi32>
    %select_n3A_109 = arith.select %lt3A_102, %broadcast_in_dim3A_81, %select_n3A_76 : vector<1024x1xi1>, vector<1024x1xf32>
    %select_n3A_110 = arith.select %lt3A_101, %select_n3A_72, %select_n3A_109 : vector<1024x1xi1>, vector<1024x1xf32>
    %select_n3A_111 = arith.select %lt3A_102, %add3A_99, %select_n3A_78 : vector<1024x1xi1>, vector<1024x1xi32>
    %select_n3A_112 = arith.select %lt3A_101, %select_n3A_74, %select_n3A_111 : vector<1024x1xi1>, vector<1024x1xi32>
    %reduce_min3A_113 = arith.constant dense<0x7F800000> : vector<1024xf32>
    %reduce_min3A_114 = vector.multi_reduction <minimumf>, %select_n3A_94, %reduce_min3A_113 [1] : vector<1024x4096xf32> to vector<1024xf32>
    %broadcast_in_dim3A_115 = vector.shape_cast %reduce_min3A_114 : vector<1024xf32> to vector<1024x1xf32>
    %eq3A_116 = vector.broadcast %broadcast_in_dim3A_115 : vector<1024x1xf32> to vector<1024x4096xf32>
    %eq3A_117 = arith.cmpf oeq, %select_n3A_94, %eq3A_116 : vector<1024x4096xf32>
    %jit3A_118 = arith.constant 0x7F800000 : f32
    %broadcast_in_dim3A_119 = vector.broadcast %jit3A_118 : f32 to vector<1024x4096xf32>
    %select_n3A_120 = arith.select %eq3A_117, %convert_element_type3A_27, %broadcast_in_dim3A_119 : vector<1024x4096xi1>, vector<1024x4096xf32>
    %reduce_min3A_121 = arith.constant dense<0x7F800000> : vector<1024xf32>
    %reduce_min3A_122 = vector.multi_reduction <minimumf>, %select_n3A_120, %reduce_min3A_121 [1] : vector<1024x4096xf32> to vector<1024xf32>
    %broadcast_in_dim3A_123 = vector.shape_cast %reduce_min3A_122 : vector<1024xf32> to vector<1024x1xf32>
    %mul3A_124 = arith.constant 4096 : i32
    %mul3A_125 = arith.muli %arg0, %mul3A_124 : i32
    %convert_element_type3A_126 = arith.fptosi %broadcast_in_dim3A_123 : vector<1024x1xf32> to vector<1024x1xi32>
    %add3A_127 = vector.broadcast %mul3A_125 : i32 to vector<1024x1xi32>
    %add3A_128 = arith.addi %add3A_127, %convert_element_type3A_126 : vector<1024x1xi32>
    %lt3A_129 = arith.cmpf olt, %broadcast_in_dim3A_115, %select_n3A_103 : vector<1024x1xf32>
    %lt3A_130 = arith.cmpf olt, %broadcast_in_dim3A_115, %select_n3A_106 : vector<1024x1xf32>
    %lt3A_131 = arith.cmpf olt, %broadcast_in_dim3A_115, %select_n3A_110 : vector<1024x1xf32>
    %select_n3A_132 = arith.select %lt3A_129, %broadcast_in_dim3A_115, %select_n3A_103 : vector<1024x1xi1>, vector<1024x1xf32>
    %select_n3A_133 = arith.select %lt3A_129, %add3A_128, %select_n3A_104 : vector<1024x1xi1>, vector<1024x1xi32>
    %select_n3A_134 = arith.select %lt3A_130, %broadcast_in_dim3A_115, %select_n3A_106 : vector<1024x1xi1>, vector<1024x1xf32>
    %select_n3A_135 = arith.select %lt3A_129, %select_n3A_103, %select_n3A_134 : vector<1024x1xi1>, vector<1024x1xf32>
    %select_n3A_136 = arith.select %lt3A_130, %add3A_128, %select_n3A_108 : vector<1024x1xi1>, vector<1024x1xi32>
    %select_n3A_137 = arith.select %lt3A_129, %select_n3A_104, %select_n3A_136 : vector<1024x1xi1>, vector<1024x1xi32>
    %select_n3A_138 = arith.select %lt3A_131, %broadcast_in_dim3A_115, %select_n3A_110 : vector<1024x1xi1>, vector<1024x1xf32>
    %select_n3A_139 = arith.select %lt3A_130, %select_n3A_106, %select_n3A_138 : vector<1024x1xi1>, vector<1024x1xf32>
    %select_n3A_140 = arith.select %lt3A_131, %add3A_128, %select_n3A_112 : vector<1024x1xi1>, vector<1024x1xi32>
    %select_n3A_141 = arith.select %lt3A_130, %select_n3A_108, %select_n3A_140 : vector<1024x1xi1>, vector<1024x1xi32>
    %swap3A = arith.constant 0 : index
    %swap3A_142 = arith.constant 0 : index
    %swap3A_143 = vector.load %arg5[%swap3A, %swap3A_142] : memref<1024x1xf32, #tpu.memory_space<vmem>>, vector<1024x1xf32>
    tpu.vector_store %arg5[%swap3A, %swap3A_142], %select_n3A_132 {strides = array<i32>} : memref<1024x1xf32, #tpu.memory_space<vmem>>, vector<1024x1xf32>,
    %swap3A_144 = arith.constant 0 : index
    %swap3A_145 = arith.constant 0 : index
    %swap3A_146 = vector.load %arg6[%swap3A_144, %swap3A_145] : memref<1024x1xi32, #tpu.memory_space<vmem>>, vector<1024x1xi32>
    tpu.vector_store %arg6[%swap3A_144, %swap3A_145], %select_n3A_133 {strides = array<i32>} : memref<1024x1xi32, #tpu.memory_space<vmem>>, vector<1024x1xi32>,
    %swap3A_147 = arith.constant 0 : index
    %swap3A_148 = arith.constant 0 : index
    %swap3A_149 = vector.load %arg7[%swap3A_147, %swap3A_148] : memref<1024x1xf32, #tpu.memory_space<vmem>>, vector<1024x1xf32>
    tpu.vector_store %arg7[%swap3A_147, %swap3A_148], %select_n3A_135 {strides = array<i32>} : memref<1024x1xf32, #tpu.memory_space<vmem>>, vector<1024x1xf32>,
    %swap3A_150 = arith.constant 0 : index
    %swap3A_151 = arith.constant 0 : index
    %swap3A_152 = vector.load %arg8[%swap3A_150, %swap3A_151] : memref<1024x1xi32, #tpu.memory_space<vmem>>, vector<1024x1xi32>
    tpu.vector_store %arg8[%swap3A_150, %swap3A_151], %select_n3A_137 {strides = array<i32>} : memref<1024x1xi32, #tpu.memory_space<vmem>>, vector<1024x1xi32>,
    %swap3A_153 = arith.constant 0 : index
    %swap3A_154 = arith.constant 0 : index
    %swap3A_155 = vector.load %arg9[%swap3A_153, %swap3A_154] : memref<1024x1xf32, #tpu.memory_space<vmem>>, vector<1024x1xf32>
    tpu.vector_store %arg9[%swap3A_153, %swap3A_154], %select_n3A_139 {strides = array<i32>} : memref<1024x1xf32, #tpu.memory_space<vmem>>, vector<1024x1xf32>,
    %swap3A_156 = arith.constant 0 : index
    %swap3A_157 = arith.constant 0 : index
    %swap3A_158 = vector.load %arg10[%swap3A_156, %swap3A_157] : memref<1024x1xi32, #tpu.memory_space<vmem>>, vector<1024x1xi32>
    tpu.vector_store %arg10[%swap3A_156, %swap3A_157], %select_n3A_141 {strides = array<i32>} : memref<1024x1xi32, #tpu.memory_space<vmem>>, vector<1024x1xi32>,
    %eq3A_159 = arith.constant 24 : i32
    %eq3A_160 = arith.cmpi eq, %arg0, %eq3A_159 : i32
    %convert_element_type3A_161 = arith.extui %eq3A_160 : i1 to i32
    %cond3A_162 = arith.constant 0 : i32
    %cond3A_163 = arith.cmpi ne, %convert_element_type3A_161, %cond3A_162 : i32
    scf.if %cond3A_163 {
      %broadcast_in_dim3A_164 = arith.constant 1.000000e+00 : f32
      %broadcast_in_dim3A_165 = vector.broadcast %broadcast_in_dim3A_164 : f32 to vector<1024x1xf32>
      %sub3A = arith.subf %select_n3A_132, %select_n3A_135 : vector<1024x1xf32>
      %exp3A = math.exp %sub3A : vector<1024x1xf32>
      %sub3A_166 = arith.subf %select_n3A_132, %select_n3A_139 : vector<1024x1xf32>
      %exp3A_167 = math.exp %sub3A_166 : vector<1024x1xf32>
      %add3A_168 = arith.addf %broadcast_in_dim3A_165, %exp3A : vector<1024x1xf32>
      %add3A_169 = arith.addf %add3A_168, %exp3A_167 : vector<1024x1xf32>
      %broadcast_in_dim3A_170 = arith.constant 0.000000e+00 : f32
      %broadcast_in_dim3A_171 = vector.broadcast %broadcast_in_dim3A_170 : f32 to vector<1024x5xf32>
      %div3A = arith.divf %broadcast_in_dim3A_165, %add3A_169 : vector<1024x1xf32>
      %div3A_172 = arith.divf %exp3A, %add3A_169 : vector<1024x1xf32>
      %div3A_173 = arith.divf %exp3A_167, %add3A_169 : vector<1024x1xf32>
      %concatenate3A = tpu.concatenate %div3A, %div3A_172, %div3A_173, %broadcast_in_dim3A_171 in 1 : vector<1024x1xf32>, vector<1024x1xf32>, vector<1024x1xf32>, vector<1024x5xf32> -> vector<1024x8xf32>
      %swap3A_174 = arith.constant 0 : index
      %swap3A_175 = arith.constant 0 : index
      %swap3A_176 = vector.load %arg3[%swap3A_174, %swap3A_175] : memref<1024x8xf32, #tpu.memory_space<vmem>>, vector<1024x8xf32>
      tpu.vector_store %arg3[%swap3A_174, %swap3A_175], %concatenate3A {strides = array<i32>} : memref<1024x8xf32, #tpu.memory_space<vmem>>, vector<1024x8xf32>,
      %broadcast_in_dim3A_177 = arith.constant 0 : i32
      %broadcast_in_dim3A_178 = vector.broadcast %broadcast_in_dim3A_177 : i32 to vector<1024x5xi32>
      %concatenate3A_179 = tpu.concatenate %select_n3A_133, %select_n3A_137, %select_n3A_141, %broadcast_in_dim3A_178 in 1 : vector<1024x1xi32>, vector<1024x1xi32>, vector<1024x1xi32>, vector<1024x5xi32> -> vector<1024x8xi32>
      %swap3A_180 = arith.constant 0 : index
      %swap3A_181 = arith.constant 0 : index
      %swap3A_182 = vector.load %arg4[%swap3A_180, %swap3A_181] : memref<1024x8xi32, #tpu.memory_space<vmem>>, vector<1024x8xi32>
      tpu.vector_store %arg4[%swap3A_180, %swap3A_181], %concatenate3A_179 {strides = array<i32>} : memref<1024x8xi32, #tpu.memory_space<vmem>>, vector<1024x8xi32>,
    } else {
    }
    return
  }
  func.func @transform_0(%arg0: i32) -> (i32, i32) {
    %c0_i32 = arith.constant 0 : i32
    %c0_i32_0 = arith.constant 0 : i32
    %c0_i32_1 = arith.constant 0 : i32
    return %c0_i32, %c0_i32_0 : i32, i32
  }
  func.func @transform_1(%arg0: i32) -> (i32, i32) {
    %c0_i32 = arith.constant 0 : i32
    %c0_i32_0 = arith.constant 0 : i32
    return %arg0, %c0_i32 : i32, i32
  }
  func.func @transform_2(%arg0: i32) -> (i32, i32) {
    %c0_i32 = arith.constant 0 : i32
    %c0_i32_0 = arith.constant 0 : i32
    %c0_i32_1 = arith.constant 0 : i32
    return %c0_i32, %c0_i32_0 : i32, i32
  }
  func.func @transform_3(%arg0: i32) -> (i32, i32) {
    %c0_i32 = arith.constant 0 : i32
    %c0_i32_0 = arith.constant 0 : i32
    %c0_i32_1 = arith.constant 0 : i32
    return %c0_i32, %c0_i32_0 : i32, i32
  }
}

</mosaic_0001>

<sc_bundles>
// kernel: kernel.4.cloned.1.call-start
scs
__scs_entry_jumppad:
0x0: {  	(pc) =	sbr.rel $0x88, $3  }
0x1: {  	(tag) =	ssettag $0x0;
	lr =	simm.s32 $0x1  }
0x2: {  	[smem:$0x3F9E] =	sst lr;
	_ =	strace $0xD0000000  }
0x3: {  	_ = 	snop  }
0x4: {  	_ = 	snop  }
0x5: {  	_ = 	snop  }
0x6: {  	_ = 	snop  }
0x7: {  	_ = 	snop  }
__scs_overlays_trampoline_lowered:
0x8: {  	[smem:$0x3FAD] =	sst s0  }
0x9: {  	[smem:$0x3FAE] =	sst s1  }
0xa: {  	[smem:$0x3FAF] =	sst s2  }
0xb: {  	[smem:$0x3FB0] =	sst s3  }
0xc: {  	[smem:$0x3FB1] =	sst s4  }
0xd: {  	[smem:$0x3FB2] =	sst s5  }
0xe: {  	[smem:$0x3FB3] =	sst s6  }
0xf: {  	[smem:$0x3FB4] =	sst s7  }
0x10: {  	[smem:$0x3FB5] =	sst s8  }
0x11: {  	[smem:$0x3FB6] =	sst s9;
	s0 =	simm.s32 @!p0 $0x0  }
0x12: {  	s1 =	sld [smem:$0x3F9C];
	s0 =	simm.s32 @p0 $0x1  }
0x13: {  	[smem:$0x3FB7] =	sst s0;
	s0 =	simm.s32 @!p1 $0x0  }
0x14: {  	s2 =	sld [smem:$0x3F9B];
	s0 =	simm.s32 @p1 $0x1  }
0x15: {  	[smem:$0x3FB8] =	sst s0;
	s0 =	simm.s32 @!p2 $0x0  }
0x16: {  	s3 =	sld [smem:$0x3FDB];
	s0 =	simm.s32 @p2 $0x1  }
0x17: {  	s4 =	simm.s32 $0x1BF5;
	[smem:$0x3FBA] =	sst s0  }
0x18: {  	s0 =	sld [smem:$0x3F9D];
	_ =	swait.ge [sflag:s4], $0x0  }
0x19: {  	s7 =	sld [smem:$0x3F9E]  }
0x1a: {  	s8 =	sadd.s32 $0xFFFFE003, lr  }
0x1b: {  	s9 =	sadd.s32 $0xFFFFFEF7, lr;
	s5 =	simm.s32 $0xFFFFFFFF;
	p2 =	slt.u32 s8, $0xFFFFF086  }
0x1c: {  	p1 =	slt.u32 s9, $0xF7A;
	s5 =	simm.s32 @!p2 $0x0  }
0x1d: {  	s5 =	simm.s32 @p1 $0x1;
	p0 =	seq.s32 s7, s2  }
0x1e: {  	s7 =	smul.u32 @!p0 $0xF7A, s2;
	p2 =	seq.s32 @!p0 s5, $0x0  }
0x1f: {  	s9 =	smul.u32 $0xF7A, s1;
	s8 =	simm.s32 @!p0 $0x1BF5;
	p2 =	por !p2, p0  }
0x20: {  	[sflag:s8] =	ssyncset.s32 @!p0 $0xFFFFF086;
	s6 =	sadd.s32 @!p0 s3, s7;
	s7 =	simm.s32 @!p0 $0x108  }
0x21: {  	s3 =	sadd.s32 s3, s9;
	s6 =	sadd.s32 @!p0 $0x88, s6;
	s7 =	simm.s32 @p2 $0x1082  }
0x22: {  	[simem:s7], [sflag:s8] =	dma.local @!p0 [hbm:s6], $0xF7A  }
0x23: {  	s9 =	sor.u32 $0xD0000000, s2;
	s6 =	simm.s32 $0x108;
	_ =	swait.ge @!p0 [sflag:s8], $0x0  }
0x24: {  	s3 =	sadd.s32 $0x88, s3;
	s6 =	simm.s32 @!p1 $0x1082;
	[sflag:s4] =	ssyncset.s32 $0xFFFFF086  }
0x25: {  	[simem:s6], [sflag:s4] =	dma.local [hbm:s3], $0xF7A  }
0x26: {  	[smem:$0x3F9E] =	sst s1;
	(tag) =	ssettag s2;
	_ =	strace s9  }
0x27: {  	s1 =	sld [smem:$0x3FAE]  }
0x28: {  	s2 =	sld [smem:$0x3FAF]  }
0x29: {  	s4 =	sld [smem:$0x3FB1]  }
0x2a: {  	p0 =	seq.s32 s5, $0x0;
	s5 =	sld [smem:$0x3FB2]  }
0x2b: {  	s6 =	sld [smem:$0x3FB3]  }
0x2c: {  	s7 =	sld [smem:$0x3FB4]  }
0x2d: {  	s3 =	simm.s32 $0x108;
	s8 =	sld [smem:$0x3FB5]  }
0x2e: {  	s3 =	simm.s32 @!p0 $0x1082;
	s9 =	sld [smem:$0x3FB6]  }
0x2f: {  	lr =	sadd.s32 s0, s3;
	s0 =	sld [smem:$0x3FAD]  }
0x30: {  	s3 =	sld [smem:$0x3FB0]  }
0x31: {  	[smem:$0x3FB9] =	sst s10  }
0x32: {  	s10 =	sld [smem:$0x3FB7];
	_ =	sdelay $0x3  }
0x33: {  	p0 =	seq.s32 s10, $0x1;
	s10 =	sld [smem:$0x3FB9];
	_ =	sdelay $0x3  }
0x34: {  	[smem:$0x3FB9] =	sst s10  }
0x35: {  	s10 =	sld [smem:$0x3FB8];
	_ =	sdelay $0x3  }
0x36: {  	p1 =	seq.s32 s10, $0x1;
	s10 =	sld [smem:$0x3FB9];
	_ =	sdelay $0x3  }
0x37: {  	[smem:$0x3FB9] =	sst s10  }
0x38: {  	s10 =	sld [smem:$0x3FBA]  }
0x39: {  	_ = 	snop;
	(pc) =	sbr.ind lr, $3  }
0x3a: {  	_ = 	snop  }
0x3b: {  	_ = 	snop  }
0x3c: {  	p2 =	seq.s32 s10, $0x1;
	s10 =	sld [smem:$0x3FB9]  }
0x3d: {  	_ =	shalt  }
0x3e: {  	_ =	shalt  }
0x3f: {  	_ =	shalt  }
0x40: {  	_ =	shalt  }
0x41: {  	_ =	shalt  }
0x42: {  	_ =	shalt  }
0x43: {  	_ =	shalt  }
0x44: {  	_ =	shalt  }
0x45: {  	_ =	shalt  }
0x46: {  	_ =	shalt  }
0x47: {  	_ =	shalt  }
0x48: {  	_ =	shalt  }
0x49: {  	_ =	shalt  }
0x4a: {  	_ =	shalt  }
0x4b: {  	_ =	shalt  }
0x4c: {  	_ =	shalt  }
0x4d: {  	_ =	shalt  }
0x4e: {  	_ =	shalt  }
0x4f: {  	_ =	shalt  }
0x50: {  	_ =	shalt  }
0x51: {  	_ =	shalt  }
0x52: {  	_ =	shalt  }
0x53: {  	_ =	shalt  }
0x54: {  	_ =	shalt  }
0x55: {  	_ =	shalt  }
0x56: {  	_ =	shalt  }
0x57: {  	_ =	shalt  }
0x58: {  	_ =	shalt  }
0x59: {  	_ =	shalt  }
0x5a: {  	_ =	shalt  }
0x5b: {  	_ =	shalt  }
0x5c: {  	_ =	shalt  }
0x5d: {  	_ =	shalt  }
0x5e: {  	_ =	shalt  }
0x5f: {  	_ =	shalt  }
0x60: {  	_ =	shalt  }
0x61: {  	_ =	shalt  }
0x62: {  	_ =	shalt  }
0x63: {  	_ =	shalt  }
0x64: {  	_ =	shalt  }
0x65: {  	_ =	shalt  }
0x66: {  	_ =	shalt  }
0x67: {  	_ =	shalt  }
0x68: {  	_ =	shalt  }
0x69: {  	_ =	shalt  }
0x6a: {  	_ =	shalt  }
0x6b: {  	_ =	shalt  }
0x6c: {  	_ =	shalt  }
0x6d: {  	_ =	shalt  }
0x6e: {  	_ =	shalt  }
0x6f: {  	_ =	shalt  }
0x70: {  	_ =	shalt  }
0x71: {  	_ =	shalt  }
0x72: {  	_ =	shalt  }
0x73: {  	_ =	shalt  }
0x74: {  	_ =	shalt  }
0x75: {  	_ =	shalt  }
0x76: {  	_ =	shalt  }
0x77: {  	_ =	shalt  }
0x78: {  	_ =	shalt  }
0x79: {  	_ =	shalt  }
0x7a: {  	_ =	shalt  }
0x7b: {  	_ =	shalt  }
0x7c: {  	_ =	shalt  }
0x7d: {  	_ =	shalt  }
0x7e: {  	_ =	shalt  }
0x7f: {  	_ =	shalt  }
0x80: {  	_ =	shalt  }
0x81: {  	_ =	shalt  }
0x82: {  	_ =	shalt  }
0x83: {  	_ =	shalt  }
0x84: {  	_ =	shalt  }
0x85: {  	_ =	shalt  }
0x86: {  	_ =	shalt  }
0x87: {  	_ =	shalt  }
.Lfunc_end0:
.L_simem_size_0:
called_computation_lowered:
.L_overlay_start_0:
0x88: {  	s2 =	sld [smem:$0x3FD9]  }
0x89: {  	s3 =	sld [smem:$0x3FFE];
	_ =	sdelay $0x1  }
0x8a: {  	s1 =	srdreg.scid  }
0x8b: {  	s0 =	sand.u32 $0x1, s1  }
0x8c: {  	s17 =	sshll.u32 s0, $0xA;
	s2 =	sadd.s32 s3, s2  }
0x8d: {  	s2 =	sadd.s32 s2, s17  }
0x8e: {  	[smem:$0x3FC5] =	sst s2  }
0x8f: {  	_ = 	snop  }
0x90: {  	s2 =	sld [smem:$0x3FD0];
	(tm) =	ssettm $0x1  }
0x91: {  	s18 =	sld [smem:$0x3FFB];
	_ =	sdelay $0x3  }
0x92: {  	_ =	strace s18  }
0x93: {  	s3 =	sld [smem:$0x3FFC];
	_ =	sdelay $0x3  }
0x94: {  	_ =	strace s3  }
0x95: {  	s3 =	sld [smem:$0x3FFD];
	_ =	sdelay $0x3  }
0x96: {  	_ =	strace s3  }
0x97: {  	_ =	strace $0x8FFFFFFF  }
0x98: {  	s19 =	sld [smem:$0x3FDB];
	_ =	sdelay $0x1  }
0x99: {  	s4 =	simm.s32 $_scs_section_size  }
0x9a: {  	s5 =	simm.s32 $_size__tile_overlayer_lowered;
	s6 =	simm.s32 $_tile_overlayer_lowered  }
0x9b: {  	s22 =	simm.s32 $0x1BFF;
	s21 =	sshll.u32 s6, $0x1;
	s3 =	sadd.s32 s4, s19  }
0x9c: {  	s7 =	simm.s32 $0x0;
	s20 =	sshll.u32 s5, $0x1;
	s5 =	sadd.s32 s21, s3  }
0x9d: {  	[timem:s7], [sflag:s22] =	dma.local [hbm:s5], s20  }
0x9e: {  	_ =	swait.ge [sflag:s22], s20  }
0x9f: {  	s4 =	ssub.s32 $0x0, s20;
	[sflag:s22] =	ssyncset.done $0x0  }
0xa0: {  	[sflag:s22] =	ssyncadd.s32 s4;
	_ =	sdelay $0x1  }
0xa1: {  	s23 =	simm.s32 $0x1B8B  }
0xa2: {  	_ =	swait.ge [sflag:s23], $0x1  }
0xa3: {  	[sflag:s23] =	ssyncset.done $0x0  }
0xa4: {  	s25 =	simm.s32 $0x1B8E;
	s24 =	sld [smem:$0x3FFE];
	[sflag:s23] =	ssyncadd.s32 $0xFFFFFFFF  }
0xa5: {  	s26 =	simm.s32 $execute0_lowered;
	[smem:$0x3FD2] =	sst s25  }
0xa6: {  	s5 =	sshll.u32 s26, $0x1;
	_ =	strace $0x80000046;
	[dreg:$0x1] =	wrdreg $0xFFFFFFFF  }
0xa7: {  	s28 =	simm.s32 $_size_execute0_lowered;
	s3 =	sadd.s32 s3, s5;
	[dreg:$0x0] =	wrdreg $0x0  }
0xa8: {  	s5 =	sshll.u32 s28, $0x1;
	[dreg:$0x2] =	wrdreg s3  }
0xa9: {  	[dreg:$0x3] =	wrdreg s5  }
0xaa: {  	[dreg:$0x4] =	wrdreg $0xC0  }
0xab: {  	_ =	task [dreg:s7], $0x5FFFF  }
0xac: {  	[dreg:$0x1] =	wrdreg $0xFFFFFFFF  }
0xad: {  	[dreg:$0x0] =	wrdreg $0x60  }
0xae: {  	[dreg:$0x2] =	wrdreg s2  }
0xaf: {  	[dreg:$0x3] =	wrdreg s24  }
0xb0: {  	[dreg:$0x4] =	wrdreg $0x9  }
0xb1: {  	_ =	task.clear_ibuf [dreg:s7], $0x5FFFF;
	_ =	strace $0x90000046  }
0xb2: {  	s29 =	simm.s32 $0x9;
	_ =	strace $0x80000048  }
0xb3: {  	_ =	swait.ge [sflag:s29], $0x1  }
0xb4: {  	[sflag:s29] =	ssyncadd.s32 $0xFFFFFFFF  }
0xb5: {  	_ =	strace $0x90000048  }
0xb6: {  	_ =	sfence  }
0xb7: {  	s30 =	sld [smem:$0x0];
	_ =	sdelay $0x2  }
0xb8: {  	s31 =	sshll.u32 s1, $0xD;
	s1 =	sshrl.u32 s1, $0x2  }
0xb9: {  	s3 =	sand.u32 $0x4000, s31;
	s1 =	sadd.s32 s1, s30  }
0xba: {  	s0 =	sor.u32 s3, s0;
	s1 =	sshll.u32 s1, $0x11  }
0xbb: {  	s0 =	sor.u32 s1, s0  }
0xbc: {  	s0 =	sadd.s32 $0x8F2B, s0  }
0xbd: {  	[sflag:s0] =	ssyncadd.remote.s32 $0x1  }
0xbe: {  	_ =	sfence.sel $0xFFFF  }
0xbf: {  	[dreg:$0x0] =	wrdreg $0xFFFFFFFF;
	(pc) =	sbr.abs _section_cstart, $3  }
0xc0: {  	[dreg:$0x1] =	wrdreg $0xFFFFFFFF  }
0xc1: {  	_ =	task.clear_ibuf [dreg:s7], $0x2FFFF;
	_ =	strace $0x9FFFFFFF  }
0xc2: {  	(tm) =	ssettm $0x7FFFFFFF  }
0xc3: {  	_ =	shalt  }
tec
execute0_lowered:
.L_overlay_start_1:
0x0: {  	(tag) =	ssettag $0x1  }
0x1: {  	s1 =	srdreg.scid;
	s4 =	rddreg [dreg:$0x0]  }
0x2: {  	s0 =	stileid.u32;
	s5 =	rddreg [dreg:$0x1];
	s2 =	simm.s32 $0x0  }
0x3: {  	s11 =	simm.s32 $0x1;
	s3 =	sand.u32 $0x1, s1;
	s1 =	rddreg [dreg:$0x2]  }
0x4: {  	s12 =	simm.s32 $0xC60;
	s31 =	sshll.u32 s0, $0x1;
	[smem:$0x7FF] =	sst s2  }
0x5: {  	s6 =	sor.u32 s3, s31;
	_ =	strace $0x80000047;
	s8 =	ssub.s32 $0x2, s3  }
0x6: {  	s3 =	sadd.s32 $0x2000, s5;
	s7 =	smul.u32 $0xC0, s6;
	s9 =	sshll.u32 s6, $0x6  }
0x7: {  	s10 =	sshrl.u32 s8, $0x1;
	s6 =	smul.u32 $0xC, s6;
	s9 =	sadd.s32 s9, s5  }
0x8: {  	s8 =	ssub.s32 s8, s10;
	s10 =	simm.s32 $0x660;
	s7 =	sadd.s32 s7, s5  }
0x9: {  	s4 =	sadd.s32 s4, s6;
	s6 =	sadd.s32 $0x32E00, s9;
	s9 =	simm.s32 $0x60  }
0xa: {  	s5 =	sadd.s32 $0x800, s7;
	s7 =	smax.u32 s8, $0x1;
	s8 =	simm.s32 $0x2  }
.LBB2_1:
0xb: {  	[tilespmem:s2], [sflag:$0x2] =	stream.linear.gather [hbm4b:s4+s2], $0x60, $0x38;
	[tilespmem:$0xE60] =	vst v63  }
0xc: {  	_ =	swait.ge [sflag:s8], $0x60  }
0xd: {  	[sflag:s8] =	ssyncset.done $0x0  }
0xe: {  	[sflag:s8] =	ssyncadd.s32 $0xFFFFFFA0  }
0xf: {  	[tilespmem:s9], [sflag:$0x2] =	stream.linear.gather [hbm4b:s5+s2], $0x600, $0x38;
	[tilespmem:$0xE60] =	vst v63  }
0x10: {  	_ =	swait.ge [sflag:s8], $0x600  }
0x11: {  	[sflag:s8] =	ssyncset.done $0x0  }
0x12: {  	[sflag:s8] =	ssyncadd.s32 $0xFFFFFA00  }
0x13: {  	[tilespmem:s10], [sflag:$0x1] =	stream.indirect.gather [hbm4b:s3+s9], $0x10, s2, s9, $0xb8;
	[tilespmem:$0xE60] =	vst v63  }
0x14: {  	_ =	swait.ge [sflag:s11], $0x600  }
0x15: {  	[sflag:s11] =	ssyncset.done $0x0  }
0x16: {  	[sflag:s11] =	ssyncadd.s32 $0xFFFFFA00  }
0x17: {  	v57 =	vld [tilespmem:$0x7A0];
	_ =	sdelay $0x4  }
0x18: {  	[tilespmem:$0x1FAE0] =	vst v57;
	v57 =	vld [tilespmem:$0x2B0];
	_ =	sdelay $0x4  }
0x19: {  	[tilespmem:$0x1FBC0] =	vst v57;
	v57 =	vld [tilespmem:$0x2F0];
	_ =	sdelay $0x4  }
0x1a: {  	[tilespmem:$0x1FBF0] =	vst v57;
	v57 =	vld [tilespmem:$0x8F0];
	_ =	sdelay $0x4  }
0x1b: {  	[tilespmem:$0x1FC00] =	vst v57;
	v57 =	vld [tilespmem:$0x300];
	_ =	sdelay $0x4  }
0x1c: {  	[tilespmem:$0x1FC10] =	vst v57;
	v57 =	vld [tilespmem:$0x900];
	_ =	sdelay $0x4  }
0x1d: {  	[tilespmem:$0x1FC20] =	vst v57;
	v57 =	vld [tilespmem:$0x310];
	_ =	sdelay $0x4  }
0x1e: {  	[tilespmem:$0x1FC30] =	vst v57;
	v57 =	vld [tilespmem:$0x910];
	_ =	sdelay $0x4  }
0x1f: {  	[tilespmem:$0x1FC40] =	vst v57;
	v57 =	vld [tilespmem:$0x320];
	_ =	sdelay $0x4  }
0x20: {  	[tilespmem:$0x1FC90] =	vst v57;
	v57 =	vld [tilespmem:$0x920];
	_ =	sdelay $0x4  }
0x21: {  	[tilespmem:$0x1FCA0] =	vst v57;
	v57 =	vld [tilespmem:$0x330];
	_ =	sdelay $0x4  }
0x22: {  	[tilespmem:$0x1FC50] =	vst v57;
	v57 =	vld [tilespmem:$0x930];
	_ =	sdelay $0x4  }
0x23: {  	[tilespmem:$0x1FC60] =	vst v57;
	v57 =	vld [tilespmem:$0x340];
	_ =	sdelay $0x4  }
0x24: {  	[tilespmem:$0x1FC70] =	vst v57;
	v57 =	vld [tilespmem:$0x940];
	_ =	sdelay $0x4  }
0x25: {  	[tilespmem:$0x1FC80] =	vst v57;
	v57 =	vld [tilespmem:$0x350];
	_ =	sdelay $0x3  }
0x26: {  	v26 =	vld [tilespmem:$0x60]  }
0x27: {  	[tilespmem:$0x1FCB0] =	vst v57;
	v57 =	vld [tilespmem:$0x950]  }
0x28: {  	v11 =	vld [tilespmem:$0x660]  }
0x29: {  	v12 =	vld [tilespmem:$0x70]  }
0x2a: {  	v10 =	vld [tilespmem:$0x670]  }
0x2b: {  	v51 =	vld [tilespmem:$0x80]  }
0x2c: {  	[tilespmem:$0x1FCC0] =	vst v57;
	v57 =	vld [tilespmem:$0x360]  }
0x2d: {  	v45 =	vld [tilespmem:$0x680]  }
0x2e: {  	v3 =	vld [tilespmem:$0x90]  }
0x2f: {  	v2 =	vld [tilespmem:$0x690]  }
0x30: {  	v1 =	vld [tilespmem:$0xA0]  }
0x31: {  	[tilespmem:$0x1FCD0] =	vst v57;
	v57 =	vld [tilespmem:$0x960]  }
0x32: {  	v0 =	vld [tilespmem:$0x6A0]  }
0x33: {  	v27 =	vld [tilespmem:$0xB0]  }
0x34: {  	v13 =	vld [tilespmem:$0x6B0]  }
0x35: {  	v35 =	vld [tilespmem:$0xC0]  }
0x36: {  	[tilespmem:$0x1FCE0] =	vst v57;
	v57 =	vld [tilespmem:$0x370]  }
0x37: {  	v28 =	vld [tilespmem:$0x6C0]  }
0x38: {  	v29 =	vld [tilespmem:$0xD0]  }
0x39: {  	v14 =	vld [tilespmem:$0x6D0]  }
0x3a: {  	v4 =	vld [tilespmem:$0xE0]  }
0x3b: {  	[tilespmem:$0x1FCF0] =	vst v57;
	v57 =	vld [tilespmem:$0x970]  }
0x3c: {  	v61 =	vld [tilespmem:$0x6E0]  }
0x3d: {  	v15 =	vld [tilespmem:$0xF0]  }
0x3e: {  	v6 =	vld [tilespmem:$0x6F0]  }
0x3f: {  	v7 =	vld [tilespmem:$0x100]  }
0x40: {  	[tilespmem:$0x1FD00] =	vst v57;
	v57 =	vld [tilespmem:$0x380]  }
0x41: {  	v30 =	vld [tilespmem:$0x110]  }
0x42: {  	v16 =	vld [tilespmem:$0x710]  }
0x43: {  	v36 =	vld [tilespmem:$0x120]  }
0x44: {  	v31 =	vld [tilespmem:$0x720]  }
0x45: {  	[tilespmem:$0x1FD10] =	vst v57;
	v57 =	vld [tilespmem:$0x980]  }
0x46: {  	v32 =	vld [tilespmem:$0x130]  }
0x47: {  	v17 =	vld [tilespmem:$0x730]  }
0x48: {  	v37 =	vld [tilespmem:$0x140]  }
0x49: {  	v33 =	vld [tilespmem:$0x740]  }
0x4a: {  	[tilespmem:$0x1FD20] =	vst v57;
	v57 =	vld [tilespmem:$0x390]  }
0x4b: {  	v34 =	vld [tilespmem:$0x150]  }
0x4c: {  	v18 =	vld [tilespmem:$0x750]  }
0x4d: {  	v38 =	vld [tilespmem:$0x160]  }
0x4e: {  	v22 =	vld [tilespmem:$0x760]  }
0x4f: {  	[tilespmem:$0x1FD30] =	vst v57;
	v57 =	vld [tilespmem:$0x990]  }
0x50: {  	v23 =	vld [tilespmem:$0x170]  }
0x51: {  	v19 =	vld [tilespmem:$0x770]  }
0x52: {  	v39 =	vld [tilespmem:$0x180]  }
0x53: {  	v24 =	vld [tilespmem:$0x780]  }
0x54: {  	[tilespmem:$0x1FD40] =	vst v57;
	v57 =	vld [tilespmem:$0x3A0]  }
0x55: {  	v25 =	vld [tilespmem:$0x190]  }
0x56: {  	v20 =	vld [tilespmem:$0x790]  }
0x57: {  	v5 =	vld [tilespmem:$0x1A0]  }
0x58: {  	v21 =	vld [tilespmem:$0x1B0]  }
0x59: {  	[tilespmem:$0x1FD50] =	vst v57;
	v57 =	vld [tilespmem:$0x9A0]  }
0x5a: {  	v8 =	vld [tilespmem:$0x7B0]  }
0x5b: {  	v9 =	vld [tilespmem:$0x1C0]  }
0x5c: {  	v40 =	vld [tilespmem:$0x1D0]  }
0x5d: {  	v48 =	vld [tilespmem:$0x7D0]  }
0x5e: {  	[tilespmem:$0x1FD60] =	vst v57;
	v57 =	vld [tilespmem:$0x3B0]  }
0x5f: {  	v58 =	vld [tilespmem:$0x1E0]  }
0x60: {  	v59 =	vld [tilespmem:$0x7E0]  }
0x61: {  	v60 =	vld [tilespmem:$0x1F0]  }
0x62: {  	v49 =	vld [tilespmem:$0x7F0]  }
0x63: {  	[tilespmem:$0x1FD70] =	vst v57;
	v57 =	vld [tilespmem:$0x9B0]  }
0x64: {  	v62 =	vld [tilespmem:$0x200]  }
0x65: {  	v63 =	vld [tilespmem:$0x800]  }
0x66: {  	v50 =	vld [tilespmem:$0x210]  }
0x67: {  	v46 =	vld [tilespmem:$0x810]  }
0x68: {  	[tilespmem:$0x1FD80] =	vst v57;
	v57 =	vld [tilespmem:$0x3C0]  }
0x69: {  	v42 =	vld [tilespmem:$0x220]  }
0x6a: {  	v41 =	vld [tilespmem:$0x230]  }
0x6b: {  	v52 =	vld [tilespmem:$0x830]  }
0x6c: {  	v44 =	vld [tilespmem:$0x240]  }
0x6d: {  	[tilespmem:$0x1FD90] =	vst v57;
	v57 =	vld [tilespmem:$0x9C0]  }
0x6e: {  	v47 =	vld [tilespmem:$0x840]  }
0x6f: {  	v53 =	vld [tilespmem:$0x250]  }
0x70: {  	v54 =	vld [tilespmem:$0x260]  }
0x71: {  	v55 =	vld [tilespmem:$0x280]  }
0x72: {  	[tilespmem:$0x1FDA0] =	vst v57;
	v57 =	vld [tilespmem:$0x3D0]  }
0x73: {  	v56 =	vld [tilespmem:$0x2A0]  }
0x74: {  	v43 =	vld [tilespmem:$0x8D0]  }
0x75: {  	[tilespmem:$0x1FAC0] =	vst v4;
	v4 =	vld [tilespmem:$0x700]  }
0x76: {  	[tilespmem:$0x1FAD0] =	vst v5;
	v5 =	vld [tilespmem:$0x7C0]  }
0x77: {  	[tilespmem:$0x1FDB0] =	vst v57;
	v57 =	vld [tilespmem:$0x9D0]  }
0x78: {  	[tilespmem:$0x1FAF0] =	vst v40;
	v40 =	vld [tilespmem:$0x820]  }
0x79: {  	[tilespmem:$0x1FB80] =	vst v53;
	v53 =	vld [tilespmem:$0x850]  }
0x7a: {  	[tilespmem:$0x1FB00] =	vst v58;
	v58 =	vld [tilespmem:$0x860]  }
0x7b: {  	[tilespmem:$0x1FB10] =	vst v59;
	v59 =	vld [tilespmem:$0x270]  }
0x7c: {  	[tilespmem:$0x1FDC0] =	vst v57;
	v57 =	vld [tilespmem:$0x3E0]  }
0x7d: {  	[tilespmem:$0x1FB90] =	vst v54;
	v54 =	vld [tilespmem:$0x870]  }
0x7e: {  	[tilespmem:$0x1FB20] =	vst v60;
	v60 =	vld [tilespmem:$0x880]  }
0x7f: {  	[tilespmem:$0x1FB30] =	vst v62;
	v62 =	vld [tilespmem:$0x290]  }
0x80: {  	[tilespmem:$0x1FBA0] =	vst v55;
	v55 =	vld [tilespmem:$0x890]  }
0x81: {  	[tilespmem:$0x1FE10] =	vst v57;
	v57 =	vld [tilespmem:$0x9E0]  }
0x82: {  	[tilespmem:$0x1FB40] =	vst v63;
	v63 =	vld [tilespmem:$0x8A0]  }
0x83: {  	[tilespmem:$0x1FBB0] =	vst v56;
	v56 =	vld [tilespmem:$0x8B0]  }
0x84: {  	[tilespmem:$0x1FB60] =	vst v44;
	v44 =	vld [tilespmem:$0x2C0]  }
0x85: {  	[tilespmem:$0x1FB70] =	vst v47;
	v47 =	vld [tilespmem:$0x8C0]  }
0x86: {  	[tilespmem:$0x1FE20] =	vst v57;
	v57 =	vld [tilespmem:$0x3F0]  }
0x87: {  	[tilespmem:$0x1FB50] =	vst v41;
	v41 =	vld [tilespmem:$0x8E0]  }
0x88: {  	v10 =	vmul.f32 v10, v12;
	v12 =	vmul.f32 v45, v51;
	v51 =	vld [tilespmem:$0xAE0]  }
0x89: {  	v11 =	vmul.f32 v11, v26;
	v26 =	vmul.f32 v13, v27;
	v27 =	vld [tilespmem:$0x4F0]  }
0x8a: {  	v45 =	vmul.f32 v14, v29;
	v14 =	vld [tilespmem:$0xAF0]  }
0x8b: {  	[tilespmem:$0x1FDD0] =	vst v57;
	v57 =	vld [tilespmem:$0x9F0]  }
0x8c: {  	v2 =	vmul.f32 v2, v3;
	v15 =	vmul.f32 v6, v15;
	v6 =	vld [tilespmem:$0x510]  }
0x8d: {  	v0 =	vmul.f32 v0, v1;
	v35 =	vmul.f32 v28, v35;
	v28 =	vld [tilespmem:$0x1FAC0]  }
0x8e: {  	v24 =	vmul.f32 v24, v39;
	v39 =	vld [tilespmem:$0x1FB30]  }
0x8f: {  	v0 =	vadd.f32 v0, v2;
	v2 =	vld [tilespmem:$0xB10]  }
0x90: {  	[tilespmem:$0x1FDE0] =	vst v57;
	v57 =	vld [tilespmem:$0x400]  }
0x91: {  	v1 =	vadd.f32 v10, v11;
	v11 =	vld [tilespmem:$0xB20]  }
0x92: {  	v3 =	vadd.f32 v45, v35;
	v35 =	vmul.f32 v31, v36;
	v36 =	vmul.f32 v17, v32;
	v32 =	vld [tilespmem:$0x1FB00]  }
0x93: {  	v45 =	vmul.f32 v33, v37;
	v33 =	vld [tilespmem:$0x1FB10]  }
0x94: {  	v37 =	vmul.f32 v46, v50;
	v46 =	vld [tilespmem:$0x1FB60]  }
0x95: {  	[tilespmem:$0x1FDF0] =	vst v57;
	v57 =	vld [tilespmem:$0xA00]  }
0x96: {  	v13 =	vadd.f32 v12, v1;
	v1 =	vld [tilespmem:$0xB00]  }
0x97: {  	v10 =	vadd.f32 v36, v35;
	v35 =	vld [tilespmem:$0x1FB20]  }
0x98: {  	v12 =	vld [tilespmem:$0xB50]  }
0x99: {  	[tilespmem:$0x1FBE0] =	vst v47;
	v47 =	vld [tilespmem:$0x2D0]  }
0x9a: {  	[tilespmem:$0x1FE00] =	vst v57;
	v57 =	vld [tilespmem:$0x410]  }
0x9b: {  	[tilespmem:$0x1FBD0] =	vst v44;
	v44 =	vld [tilespmem:$0x2E0]  }
0x9c: {  	[tilespmem:$0x1FFD0] =	vst v27;
	v27 =	vld [tilespmem:$0x500]  }
0x9d: {  	[tilespmem:$0x1FFE0] =	vst v14;
	v14 =	vadd.f32 v26, v0;
	v26 =	vmul.f32 v4, v7;
	v7 =	vld [tilespmem:$0x520]  }
0x9e: {  	v5 =	vmul.f32 v5, v9;
	v9 =	vld [tilespmem:$0x550]  }
0x9f: {  	[tilespmem:$0x1FE30] =	vst v57;
	v57 =	vld [tilespmem:$0xA10]  }
0xa0: {  	v22 =	vmul.f32 v22, v38;
	v38 =	vmul.f32 v40, v42;
	v40 =	vld [tilespmem:$0x1FB40]  }
0xa1: {  	v8 =	vmul.f32 v8, v21;
	v42 =	vld [tilespmem:$0x1FB50]  }
0xa2: {  	v29 =	vmul.f32 v61, v28;
	v28 =	vld [tilespmem:$0x1FAD0]  }
0xa3: {  	v8 =	vadd.f32 v5, v8;
	v5 =	vld [tilespmem:$0xB40]  }
0xa4: {  	[tilespmem:$0x1FE40] =	vst v57;
	v57 =	vld [tilespmem:$0x420]  }
0xa5: {  	v61 =	vmul.f32 v18, v34;
	v34 =	vmul.f32 v33, v32;
	v33 =	vld [tilespmem:$0x580]  }
0xa6: {  	v32 =	vld [tilespmem:$0x590]  }
0xa7: {  	v0 =	vadd.f32 v26, v15;
	v15 =	vadd.f32 v29, v3;
	v29 =	vld [tilespmem:$0x1FAE0]  }
0xa8: {  	v3 =	vld [tilespmem:$0xB30]  }
0xa9: {  	[tilespmem:$0x1FE50] =	vst v57;
	v57 =	vld [tilespmem:$0xA20]  }
0xaa: {  	v4 =	vadd.f32 v22, v61;
	v61 =	vld [tilespmem:$0x1FBB0]  }
0xab: {  	v30 =	vmul.f32 v16, v30;
	v22 =	vadd.f32 v38, v37;
	v37 =	vld [tilespmem:$0x1FBD0]  }
0xac: {  	v38 =	vld [tilespmem:$0x1FBE0]  }
0xad: {  	v16 =	vadd.f32 v30, v0;
	v0 =	vld [tilespmem:$0x530]  }
0xae: {  	[tilespmem:$0x1FE60] =	vst v57;
	v57 =	vld [tilespmem:$0x430]  }
0xaf: {  	v30 =	vld [tilespmem:$0x1FAF0]  }
0xb0: {  	v23 =	vmul.f32 v19, v23;
	v36 =	vmul.f32 v49, v35;
	v49 =	vld [tilespmem:$0x1FB80]  }
0xb1: {  	v35 =	vld [tilespmem:$0xB90]  }
0xb2: {  	v17 =	vadd.f32 v23, v4;
	v4 =	vld [tilespmem:$0x540]  }
0xb3: {  	[tilespmem:$0x1FE70] =	vst v57;
	v57 =	vld [tilespmem:$0xA30]  }
0xb4: {  	v19 =	vadd.f32 v45, v10;
	v45 =	vmul.f32 v52, v42;
	v52 =	vld [tilespmem:$0x1FB90]  }
0xb5: {  	v26 =	vmul.f32 v20, v25;
	v20 =	vmul.f32 v40, v39;
	v39 =	vld [tilespmem:$0x1FBF0]  }
0xb6: {  	v10 =	vmul.f32 v29, v28;
	v29 =	vld [tilespmem:$0x570]  }
0xb7: {  	[tilespmem:$0x1FFF0] =	vst v27;
	v27 =	vadd.f32 v26, v24;
	v26 =	vmul.f32 v38, v37;
	v37 =	vld [tilespmem:$0x5A0]  }
0xb8: {  	[tilespmem:$0x1FE80] =	vst v57;
	v57 =	vld [tilespmem:$0x440]  }
0xb9: {  	v38 =	vld [tilespmem:$0xBA0]  }
0xba: {  	v31 =	vmul.f32 v48, v30;
	v48 =	vld [tilespmem:$0x1FB70];
	v50 =	vmul.f32 v53, v49  }
0xbb: {  	v53 =	vmul.f32 v58, v52;
	v58 =	vmul.f32 v54, v59;
	v59 =	vld [tilespmem:$0x1FBA0]  }
0xbc: {  	v40 =	vld [tilespmem:$0x1FC00]  }
0xbd: {  	[tilespmem:$0x1FED0] =	vst v57;
	v57 =	vld [tilespmem:$0xA40]  }
0xbe: {  	v21 =	vadd.f32 v31, v8;
	v8 =	vld [tilespmem:$0x560]  }
0xbf: {  	v31 =	vld [tilespmem:$0xB70]  }
0xc0: {  	v23 =	vmul.f32 v60, v59;
	v60 =	vmul.f32 v55, v62;
	v62 =	vld [tilespmem:$0x1FBC0]  }
0xc1: {  	v28 =	vmul.f32 v40, v39;
	v39 =	vld [tilespmem:$0x5B0]  }
0xc2: {  	v18 =	vadd.f32 v10, v27;
	v10 =	vadd.f32 v36, v34;
	[tilespmem:$0x1FEE0] =	vst v57;
	v57 =	vld [tilespmem:$0x450]  }
0xc3: {  	v40 =	vld [tilespmem:$0xBB0]  }
0xc4: {  	v20 =	vadd.f32 v20, v10;
	v10 =	vld [tilespmem:$0xB60]  }
0xc5: {  	v36 =	vmul.f32 v41, v44;
	v41 =	vld [tilespmem:$0x1FC10]  }
0xc6: {  	v42 =	vld [tilespmem:$0x1FC20]  }
0xc7: {  	v25 =	vmul.f32 v63, v61;
	v30 =	vmul.f32 v56, v62;
	[tilespmem:$0x1FE90] =	vst v57;
	v57 =	vld [tilespmem:$0xA50]  }
0xc8: {  	v39 =	vmul.f32 v40, v39;
	v40 =	vld [tilespmem:$0x650]  }
0xc9: {  	v25 =	vadd.f32 v30, v25;
	v30 =	vld [tilespmem:$0xB80]  }
0xca: {  	v63 =	vmul.f32 v43, v47;
	v43 =	vld [tilespmem:$0x1FC30]  }
0xcb: {  	v44 =	vld [tilespmem:$0x1FC40]  }
0xcc: {  	[tilespmem:$0x1FEA0] =	vst v57;
	v57 =	vld [tilespmem:$0x460]  }
0xcd: {  	v24 =	vmul.f32 v48, v46;
	v25 =	vadd.f32 v26, v25;
	v26 =	vmul.f32 v42, v41;
	v41 =	vld [tilespmem:$0x5C0]  }
0xce: {  	v42 =	vld [tilespmem:$0xBC0]  }
0xcf: {  	v24 =	vadd.f32 v50, v24;
	v50 =	vld [tilespmem:$0x1FC90]  }
0xd0: {  	v34 =	vmul.f32 v44, v43;
	v43 =	vld [tilespmem:$0x5D0]  }
0xd1: {  	[tilespmem:$0x1FEB0] =	vst v57;
	v57 =	vld [tilespmem:$0xA60]  }
0xd2: {  	v52 =	vld [tilespmem:$0x1FCA0]  }
0xd3: {  	v22 =	vadd.f32 v45, v22;
	v45 =	vld [tilespmem:$0x1FC50]  }
0xd4: {  	v46 =	vld [tilespmem:$0x1FC60]  }
0xd5: {  	v47 =	vld [tilespmem:$0x1FC70]  }
0xd6: {  	[tilespmem:$0x1FEC0] =	vst v57;
	v57 =	vld [tilespmem:$0x470]  }
0xd7: {  	v48 =	vld [tilespmem:$0x1FC80]  }
0xd8: {  	v24 =	vadd.f32 v53, v24;
	v53 =	vld [tilespmem:$0x1FCB0]  }
0xd9: {  	v54 =	vld [tilespmem:$0x1FCC0]  }
0xda: {  	v56 =	vld [tilespmem:$0x1FCD0]  }
0xdb: {  	[tilespmem:$0x1FEF0] =	vst v57;
	v57 =	vld [tilespmem:$0xA70]  }
0xdc: {  	v23 =	vadd.f32 v23, v58;
	v58 =	vld [tilespmem:$0x1FCE0]  }
0xdd: {  	v59 =	vld [tilespmem:$0x1FCF0]  }
0xde: {  	v23 =	vadd.f32 v60, v23;
	v60 =	vld [tilespmem:$0x1FD00]  }
0xdf: {  	v61 =	vld [tilespmem:$0x1FD10]  }
0xe0: {  	[tilespmem:$0x1FF00] =	vst v57;
	v57 =	vld [tilespmem:$0x480]  }
0xe1: {  	v62 =	vld [tilespmem:$0x1FD20]  }
0xe2: {  	v27 =	vadd.f32 v36, v63;
	v63 =	vld [tilespmem:$0x1FD30]  }
0xe3: {  	v44 =	vld [tilespmem:$0x1FD40]  }
0xe4: {  	v27 =	vadd.f32 v28, v27;
	v28 =	vmul.f32 v46, v45;
	v45 =	vld [tilespmem:$0x1FD50]  }
0xe5: {  	[tilespmem:$0x1FF10] =	vst v57;
	v57 =	vld [tilespmem:$0xA80]  }
0xe6: {  	v46 =	vld [tilespmem:$0x1FD60]  }
0xe7: {  	v36 =	vmul.f32 v48, v47;
	v47 =	vld [tilespmem:$0x1FD70]  }
0xe8: {  	v48 =	vld [tilespmem:$0x1FD80]  }
0xe9: {  	v49 =	vadd.f32 v34, v26;
	v26 =	vmul.f32 v52, v50;
	v50 =	vld [tilespmem:$0x1FD90]  }
0xea: {  	[tilespmem:$0x1FF20] =	vst v57;
	v57 =	vld [tilespmem:$0x490]  }
0xeb: {  	v52 =	vld [tilespmem:$0x1FDA0]  }
0xec: {  	v34 =	vmul.f32 v54, v53;
	v53 =	vld [tilespmem:$0x1FDB0]  }
0xed: {  	v54 =	vld [tilespmem:$0x1FDC0]  }
0xee: {  	[tilespmem:$0xC80] =	vst v15;
	v55 =	vadd.f32 v36, v28;
	v15 =	vmul.f32 v62, v61;
	v61 =	vld [tilespmem:$0x1FE10]  }
0xef: {  	[tilespmem:$0x1FF30] =	vst v57;
	v57 =	vld [tilespmem:$0xA90]  }
0xf0: {  	[tilespmem:$0xC70] =	vst v14;
	v14 =	vadd.f32 v34, v55;
	v55 =	vld [tilespmem:$0x1FDD0]  }
0xf1: {  	v28 =	vmul.f32 v58, v56;
	v36 =	vmul.f32 v60, v59;
	v56 =	vld [tilespmem:$0x1FDE0]  }
0xf2: {  	[tilespmem:$0xC60] =	vst v13;
	v13 =	vadd.f32 v26, v49;
	v58 =	vld [tilespmem:$0x1FDF0]  }
0xf3: {  	[tilespmem:$0xC90] =	vst v16;
	v49 =	vadd.f32 v36, v28;
	v28 =	vmul.f32 v52, v50;
	v36 =	vmul.f32 v54, v53;
	v59 =	vld [tilespmem:$0x1FE00]  }
0xf4: {  	v26 =	vmul.f32 v44, v63;
	v16 =	vmul.f32 v46, v45;
	[tilespmem:$0x1FF40] =	vst v57;
	v57 =	vld [tilespmem:$0x4A0]  }
0xf5: {  	v60 =	vadd.f32 v36, v28;
	v28 =	vld [tilespmem:$0xBD0]  }
0xf6: {  	v16 =	vadd.f32 v16, v26;
	v34 =	vmul.f32 v48, v47;
	v62 =	vld [tilespmem:$0x1FE20]  }
0xf7: {  	v63 =	vld [tilespmem:$0x1FE30]  }
0xf8: {  	[tilespmem:$0xCB0] =	vst v17;
	v16 =	vadd.f32 v34, v16;
	v17 =	vmul.f32 v56, v55;
	v26 =	vmul.f32 v59, v58;
	v34 =	vld [tilespmem:$0x1FE40]  }
0xf9: {  	[tilespmem:$0x1FF50] =	vst v57;
	v57 =	vld [tilespmem:$0xAA0]  }
0xfa: {  	v17 =	vadd.f32 v26, v17;
	v26 =	vld [tilespmem:$0x5E0]  }
0xfb: {  	v36 =	vld [tilespmem:$0x1FE50]  }
0xfc: {  	v44 =	vld [tilespmem:$0x1FE60]  }
0xfd: {  	[tilespmem:$0xCD0] =	vst v21;
	v21 =	vmul.f32 v34, v63;
	v34 =	vld [tilespmem:$0xBE0]  }
0xfe: {  	[tilespmem:$0x1FF60] =	vst v57;
	v57 =	vld [tilespmem:$0x4B0]  }
0xff: {  	[tilespmem:$0xCA0] =	vst v19;
	v19 =	vmul.f32 v62, v61;
	v45 =	vld [tilespmem:$0x1FE70]  }
0x100: {  	v46 =	vld [tilespmem:$0x1FE80]  }
0x101: {  	[tilespmem:$0xCC0] =	vst v18;
	v18 =	vadd.f32 v19, v60;
	v19 =	vmul.f32 v44, v36;
	v36 =	vld [tilespmem:$0x5F0]  }
0x102: {  	v44 =	vld [tilespmem:$0xBF0]  }
0x103: {  	[tilespmem:$0x1FF70] =	vst v57;
	v57 =	vld [tilespmem:$0xAB0]  }
0x104: {  	v52 =	vld [tilespmem:$0x1FED0]  }
0x105: {  	[tilespmem:$0xCE0] =	vst v20;
	v20 =	vmul.f32 v46, v45;
	v45 =	vld [tilespmem:$0x600]  }
0x106: {  	v46 =	vld [tilespmem:$0xC00]  }
0x107: {  	v53 =	vld [tilespmem:$0x1FEE0]  }
0x108: {  	[tilespmem:$0x1FF80] =	vst v57;
	v57 =	vld [tilespmem:$0x4C0]  }
0x109: {  	v47 =	vld [tilespmem:$0x1FE90]  }
0x10a: {  	v48 =	vld [tilespmem:$0x1FEA0]  }
0x10b: {  	v15 =	vadd.f32 v15, v49;
	v49 =	vld [tilespmem:$0x1FEB0]  }
0x10c: {  	v50 =	vld [tilespmem:$0x1FEC0]  }
0x10d: {  	[tilespmem:$0x1FF90] =	vst v57;
	v57 =	vld [tilespmem:$0xAC0]  }
0x10e: {  	v54 =	vld [tilespmem:$0x1FEF0]  }
0x10f: {  	v55 =	vld [tilespmem:$0x1FF00]  }
0x110: {  	v56 =	vld [tilespmem:$0x1FF10]  }
0x111: {  	v58 =	vld [tilespmem:$0x1FF20]  }
0x112: {  	[tilespmem:$0x1FFA0] =	vst v57;
	v57 =	vld [tilespmem:$0x4D0]  }
0x113: {  	v59 =	vld [tilespmem:$0x1FF30]  }
0x114: {  	v60 =	vld [tilespmem:$0x1FF40]  }
0x115: {  	v61 =	vld [tilespmem:$0x1FF50]  }
0x116: {  	v62 =	vld [tilespmem:$0x1FF60]  }
0x117: {  	[tilespmem:$0x1FFB0] =	vst v57;
	v57 =	vld [tilespmem:$0xAD0]  }
0x118: {  	v63 =	vld [tilespmem:$0x1FF70]  }
0x119: {  	v17 =	vadd.f32 v21, v17;
	v21 =	vmul.f32 v48, v47;
	v48 =	vld [tilespmem:$0x1FF80]  }
0x11a: {  	[tilespmem:$0xCF0] =	vst v22;
	v22 =	vmul.f32 v50, v49;
	v49 =	vld [tilespmem:$0x1FF90]  }
0x11b: {  	v50 =	vld [tilespmem:$0x1FFA0]  }
0x11c: {  	[tilespmem:$0x1FFC0] =	vst v57;
	v57 =	vld [tilespmem:$0x4E0]  }
0x11d: {  	v19 =	vadd.f32 v20, v19;
	v20 =	vmul.f32 v53, v52;
	v52 =	vld [tilespmem:$0x1FFB0]  }
0x11e: {  	v2 =	vmul.f32 v2, v6;
	v0 =	vmul.f32 v3, v0;
	[tilespmem:$0xD00] =	vst v24;
	v53 =	vld [tilespmem:$0x1FFC0]  }
0x11f: {  	[tilespmem:$0xD10] =	vst v23;
	v47 =	vld [tilespmem:$0x610];
	v21 =	vadd.f32 v22, v21;
	v24 =	vmul.f32 v55, v54;
	v22 =	vmul.f32 v58, v56  }
0x120: {  	[tilespmem:$0xD20] =	vst v25;
	v56 =	vld [tilespmem:$0x1FFD0];
	v23 =	vmul.f32 v60, v59;
	v25 =	vmul.f32 v48, v63  }
0x121: {  	[tilespmem:$0xD30] =	vst v27;
	v21 =	vadd.f32 v24, v21;
	v24 =	vmul.f32 v50, v49;
	v55 =	vmul.f32 v51, v57;
	v57 =	vld [tilespmem:$0x1FFE0]  }
0x122: {  	[tilespmem:$0xD40] =	vst v13;
	v19 =	vadd.f32 v20, v19;
	v58 =	vld [tilespmem:$0xC10];
	v54 =	vadd.f32 v23, v22;
	v20 =	vmul.f32 v62, v61  }
0x123: {  	v4 =	vmul.f32 v5, v4;
	[tilespmem:$0xD50] =	vst v14;
	v22 =	vld [tilespmem:$0xC20];
	v59 =	vadd.f32 v24, v25;
	v27 =	vmul.f32 v53, v52  }
0x124: {  	v38 =	vmul.f32 v38, v37;
	[tilespmem:$0xD60] =	vst v15;
	v60 =	vmul.f32 v11, v7;
	v62 =	vadd.f32 v20, v54;
	v20 =	vld [tilespmem:$0x1FFF0]  }
0x125: {  	v42 =	vmul.f32 v42, v41;
	[tilespmem:$0xD70] =	vst v16;
	v25 =	vld [tilespmem:$0xC30];
	v14 =	vadd.f32 v27, v59;
	v27 =	vmul.f32 v31, v29  }
0x126: {  	[tilespmem:$0xD80] =	vst v18;
	v2 =	vadd.f32 v60, v2;
	v29 =	vmul.f32 v30, v33;
	v30 =	vld [tilespmem:$0x640];
	v23 =	vmul.f32 v57, v56  }
0x127: {  	[tilespmem:$0xD90] =	vst v17;
	v24 =	vmul.f32 v12, v9;
	v33 =	vmul.f32 v35, v32;
	v35 =	vld [tilespmem:$0xC40]  }
0x128: {  	[tilespmem:$0xDA0] =	vst v19;
	v0 =	vadd.f32 v0, v2;
	v54 =	vmul.f32 v46, v45;
	v63 =	vadd.f32 v23, v55;
	v23 =	vld [tilespmem:$0x630]  }
0x129: {  	[tilespmem:$0xDB0] =	vst v21;
	v61 =	vld [tilespmem:$0x620];
	v1 =	vmul.f32 v1, v20;
	v4 =	vadd.f32 v24, v4;
	v31 =	vmul.f32 v10, v8  }
0x12a: {  	[tilespmem:$0xDF0] =	vst v0;
	v49 =	vmul.f32 v28, v43;
	v50 =	vld [tilespmem:$0xC50];
	v51 =	vmul.f32 v34, v26;
	v2 =	vadd.f32 v29, v27  }
0x12b: {  	[tilespmem:$0xDC0] =	vst v62;
	v52 =	vmul.f32 v44, v36;
	v53 =	vadd.f32 v39, v38;
	v4 =	vadd.f32 v31, v4  }
0x12c: {  	[tilespmem:$0xDD0] =	vst v14;
	v56 =	vadd.f32 v51, v49;
	v2 =	vadd.f32 v33, v2;
	v55 =	vmul.f32 v58, v47  }
0x12d: {  	[tilespmem:$0xE00] =	vst v4;
	v57 =	vmul.f32 v35, v30;
	v1 =	vadd.f32 v1, v63;
	v3 =	vmul.f32 v25, v23  }
0x12e: {  	v59 =	vmul.f32 v22, v61;
	v0 =	vadd.f32 v52, v56;
	v58 =	vadd.f32 v55, v54;
	[tilespmem:$0xE10] =	vst v2  }
0x12f: {  	v61 =	vmul.f32 v50, v40;
	[tilespmem:$0xDE0] =	vst v1;
	v1 =	vadd.f32 v42, v53;
	v60 =	vadd.f32 v57, v3  }
0x130: {  	[tilespmem:$0xE30] =	vst v0;
	v62 =	vadd.f32 v59, v58  }
0x131: {  	[tilespmem:$0xE20] =	vst v1;
	v63 =	vadd.f32 v61, v60  }
0x132: {  	p0 =	sne.s32 s7, $0x1;
	[tilespmem:$0xE40] =	vst v62  }
.Ltmp0:
0x133: {  	[tilespmem:$0xE50] =	vst v63;
	(pc) =	sbr.rel @p0 .LBB2_1-.Ltmp0, $4  }
0x134: {  	[hbm4b:s6+s2] =	stream.linear.scatter [tilespmem:s12], [sflag:$0x2], $0x200, $0x38;
	[tilespmem:$0xE60] =	vst v63  }
0x135: {  	_ =	swait.ge [sflag:s8], $0x200  }
0x136: {  	[sflag:s8] =	ssyncset.done $0x0  }
0x137: {  	s7 =	sadd.s32 $0xFFFFFFFF, s7;
	[sflag:s8] =	ssyncadd.s32 $0xFFFFFE00  }
0x138: {  	_ =	sfence.sel $0x180000  }
0x139: {  	[bflag:$0x0] =	sbarrier.arrive $0xFFFF  }
0x13a: {  	p0 =	sne.s32 s0, $0x0;
	_ =	strace $0x90000047  }
0x13b: {  	s0 =	sadd.s32 @!p0 $0x100000, s1;
	[bflag:$0x2] =	sbarrier.arrive $0xFFFF  }
0x13c: {  	[sflag:s0] =	ssyncadd.tile.s32 @!p0 $0x1;
	_ =	shalt  }
.Lfunc_end2:
_tile_overlayer_lowered:
.L_overlay_start_2:
0x13d: {  	(tag) =	ssettag $0x2  }
0x13e: {  	s0 =	rddreg [dreg:$0x0];
	s2 =	stileid.u32  }
0x13f: {  	s1 =	rddreg [dreg:$0x1];
	p0 =	sne.s32 s2, $0x0  }
0x140: {  	s3 =	rddreg [dreg:$0x2];
	[bflag:$0x3] =	sbarrier.arrive $0xFFFF;
	s2 =	simm.s32 @!p0 $0x1C02  }
0x141: {  	[timem:s3], [sflag:s2] =	dma.local @!p0 [hbm:s0], s1  }
0x142: {  	s0 =	simm.s32 @!p0 $0x2  }
0x143: {  	_ =	swait.ge @!p0 [sflag:s0], s1  }
0x144: {  	s1 =	ssub.s32 @!p0 $0x0, s1;
	[sflag:s0] =	ssyncset.done @!p0 $0x0  }
0x145: {  	[sflag:s0] =	ssyncadd.s32 @!p0 s1  }
0x146: {  	[bflag:$0x3] =	sbarrier.arrive $0xFFFF  }
0x147: {  	_ =	shalt  }

</sc_bundles>
